<compile_context>
chip_gen: v7x
topology: tpu7x:2x2x1
jax: 0.10.2.dev20260603
libtpu: 0.0.44.dev20260713+nightly
codegen_flags: <defaults>
</compile_context>

<pallas_src>
import functools

import jax
import jax.numpy as jnp
from jax import lax
from jax.experimental import pallas as pl
from jax.experimental.pallas import tpu as pltpu
from jax.experimental.pallas import tpu_sc as plsc

EMBEDDING_LENGTH = 128
VOCAB = 256

NUM_CORES = 2
NUM_SUBCORES = 16
NW = NUM_CORES * NUM_SUBCORES

CHUNK = 64
RING = 8
AHEAD = 4


def _make_kernel(n_rows: int):
    assert n_rows % (NW * CHUNK) == 0
    chunks_per_w = n_rows // (NW * CHUNK)
    assert chunks_per_w % RING == 0 and chunks_per_w >= 2 * RING
    mesh = plsc.VectorSubcoreMesh(
        core_axis_name="c", subcore_axis_name="s",
        num_cores=NUM_CORES, num_subcores=NUM_SUBCORES)

    @functools.partial(
        pl.kernel,
        out_type=jax.ShapeDtypeStruct((n_rows, EMBEDDING_LENGTH), jnp.float32),
        mesh=mesh,
        scratch_types=[
            pltpu.VMEM((chunks_per_w, CHUNK), jnp.int32),
            pltpu.VMEM_SHARED((VOCAB, EMBEDDING_LENGTH), jnp.float32),
        ] + [pltpu.VMEM((CHUNK, EMBEDDING_LENGTH), jnp.float32)] * RING
          + [pltpu.SemaphoreType.DMA] * (2 * RING),
    )
    def gather_kernel(table_hbm, idx_hbm, out_hbm, idx_v, table_v, *rest):
        bufs = rest[:RING]
        gsems = rest[RING:2 * RING]
        wsems = rest[2 * RING:]
        sid = lax.axis_index("s")
        wid = sid * NUM_CORES + lax.axis_index("c")
        base = wid * chunks_per_w

        pltpu.sync_copy(idx_hbm.at[pl.ds(base, chunks_per_w)], idx_v)

        @pl.when(sid == 0)
        def _stage_table():
            pltpu.sync_copy(table_hbm, table_v)

        plsc.subcore_barrier()

        def out_slice(c):
            return out_hbm.at[pl.ds((base + c) * CHUNK, CHUNK)]

        def fire_gather(c, b):
            pltpu.async_copy(table_v.at[idx_v.at[c]], bufs[b], gsems[b])

        def wait_gather(c, b):
            pltpu.make_async_copy(
                table_v.at[idx_v.at[c]], bufs[b], gsems[b]).wait()

        def fire_write(c, b):
            pltpu.async_copy(bufs[b], out_slice(c), wsems[b])

        def drain_write(c, b):
            pltpu.make_async_copy(bufs[b], out_slice(c), wsems[b]).wait()

        for c in range(AHEAD):
            fire_gather(c, c % RING)

        def body(k, carry):
            c0 = RING * k
            for i in range(RING):
                c = c0 + i
                pa = c + AHEAD
                ba = (i + AHEAD) % RING
                drain_write(pa - RING, ba)
                fire_gather(pa, ba)
                wait_gather(c, i)
                fire_write(c, i)
            return carry

        for i in range(RING):
            c = i
            pa = c + AHEAD
            ba = (i + AHEAD) % RING
            if pa - RING >= 0:
                drain_write(pa - RING, ba)
            fire_gather(pa, ba)
            wait_gather(c, i)
            fire_write(c, i)

        lax.fori_loop(1, chunks_per_w // RING - 1, body, 0)

        c0 = chunks_per_w - RING
        for i in range(RING):
            c = c0 + i
            pa = c + AHEAD
            ba = (i + AHEAD) % RING
            if pa < chunks_per_w:
                drain_write(pa - RING, ba)
                fire_gather(pa, ba)
            wait_gather(c, i)
            fire_write(c, i)

        for c in range(chunks_per_w - RING, chunks_per_w):
            drain_write(c, c % RING)

    return gather_kernel


def kernel(x, table):
    orig_shape = x.shape
    n_rows = x.size
    idx = x.reshape(n_rows // CHUNK, CHUNK).astype(jnp.int32)
    out = _make_kernel(n_rows)(table, idx)
    return out.reshape(*orig_shape, EMBEDDING_LENGTH)

# --- scband reference (transcript-rebuilt; emitter-appended) ---
"""Pipeline reference for scband-model-46462956208381 (READ-ONLY COPY).

The authoritative reference and input builder live on the scoring server;
editing this copy changes nothing except your own understanding.
"""

import jax, jax.numpy as jnp
import numpy as np

EMBEDDING_LENGTH = 128
VOCAB = 256

def setup_inputs(seed: int = 0) -> dict:
    key = jax.random.key(seed)
    k1, k2 = jax.random.split(key)
    x = jax.random.randint(k1, (4096, 200), 0, VOCAB, dtype=jnp.int64 if jax.config.jax_enable_x64 else jnp.int32)
    table = jax.random.normal(k2, (VOCAB, EMBEDDING_LENGTH), dtype=jnp.float32)
    return {"x": x, "table": table}

def reference(x, table):
    # nn.Embedding(256, EMBEDDING_LENGTH): plain row gather
    return jnp.take(table, x, axis=0)

if __name__ == "__main__":
    import jax
    _d = setup_inputs()
    print(jax.jit(kernel)(*tuple(_d.values())))

</pallas_src>

<mosaic_0001>
#map = affine_map<(d0, d1) -> (0, 0)>
module attributes {stable_mosaic.version = 14 : i64} {
  func.func @gather_kernel(%arg0: i32, %arg1: i32, %arg2: memref<256x128xf32, #tpu.memory_space<hbm>>, %arg3: memref<12800x64xi32, #tpu.memory_space<hbm>>, %arg4: memref<819200x128xf32, #tpu.memory_space<hbm>>, %arg5: memref<400x64xi32, #tpu.memory_space<vmem>>, %arg6: memref<256x128xf32, #tpu.memory_space<vmem_shared>>, %arg7: memref<64x128xf32, #tpu.memory_space<vmem>>, %arg8: memref<64x128xf32, #tpu.memory_space<vmem>>, %arg9: memref<64x128xf32, #tpu.memory_space<vmem>>, %arg10: memref<64x128xf32, #tpu.memory_space<vmem>>, %arg11: memref<64x128xf32, #tpu.memory_space<vmem>>, %arg12: memref<64x128xf32, #tpu.memory_space<vmem>>, %arg13: memref<64x128xf32, #tpu.memory_space<vmem>>, %arg14: memref<64x128xf32, #tpu.memory_space<vmem>>, %arg15: memref<!tpu.dma_semaphore, #tpu.memory_space<semaphore_mem>>, %arg16: memref<!tpu.dma_semaphore, #tpu.memory_space<semaphore_mem>>, %arg17: memref<!tpu.dma_semaphore, #tpu.memory_space<semaphore_mem>>, %arg18: memref<!tpu.dma_semaphore, #tpu.memory_space<semaphore_mem>>, %arg19: memref<!tpu.dma_semaphore, #tpu.memory_space<semaphore_mem>>, %arg20: memref<!tpu.dma_semaphore, #tpu.memory_space<semaphore_mem>>, %arg21: memref<!tpu.dma_semaphore, #tpu.memory_space<semaphore_mem>>, %arg22: memref<!tpu.dma_semaphore, #tpu.memory_space<semaphore_mem>>, %arg23: memref<!tpu.dma_semaphore, #tpu.memory_space<semaphore_mem>>, %arg24: memref<!tpu.dma_semaphore, #tpu.memory_space<semaphore_mem>>, %arg25: memref<!tpu.dma_semaphore, #tpu.memory_space<semaphore_mem>>, %arg26: memref<!tpu.dma_semaphore, #tpu.memory_space<semaphore_mem>>, %arg27: memref<!tpu.dma_semaphore, #tpu.memory_space<semaphore_mem>>, %arg28: memref<!tpu.dma_semaphore, #tpu.memory_space<semaphore_mem>>, %arg29: memref<!tpu.dma_semaphore, #tpu.memory_space<semaphore_mem>>, %arg30: memref<!tpu.dma_semaphore, #tpu.memory_space<semaphore_mem>>) attributes {dimension_semantics = [#tpu.dimension_semantics<core_parallel>, #tpu.dimension_semantics<subcore_parallel>], iteration_bounds = array<i64: 2, 16>, scalar_prefetch = 0 : i64, scratch_operands = 26 : i64, tpu.core_type = #tpu.core_type<sc_vector_subcore>, window_params = [{transform_indices = #map}, {transform_indices = #map}, {transform_indices = #map}]} {
    %mul3A = arith.constant 2 : i32
    %mul3A_0 = arith.muli %arg1, %mul3A : i32
    %add3A = arith.addi %mul3A_0, %arg0 : i32
    %mul3A_1 = arith.constant 400 : i32
    %mul3A_2 = arith.muli %add3A, %mul3A_1 : i32
    "tpu.region"() ({
      %run_scoped3A = tpu.sem_alloc : memref<!tpu.dma_semaphore, #tpu.memory_space<semaphore_mem>>
      %dma_start3A_488 = arith.constant 0 : i32
      %dma_start3A_489 = tpu.memref_slice %arg3[%mul3A_2, %dma_start3A_488] : memref<12800x64xi32, #tpu.memory_space<hbm>> -> memref<400x64xi32, #tpu.memory_space<hbm>>
      %dma_start3A_490 = arith.constant 0 : i32
      %dma_start3A_491 = tpu.memref_slice %arg3[%mul3A_2, %dma_start3A_490] : memref<12800x64xi32, #tpu.memory_space<hbm>> -> memref<400x64xi32, #tpu.memory_space<hbm>>
      tpu.enqueue_dma source(%dma_start3A_491 : memref<400x64xi32, #tpu.memory_space<hbm>>) target(%arg5 : memref<400x64xi32, #tpu.memory_space<vmem>>) target_semaphore(%run_scoped3A : memref<!tpu.dma_semaphore, #tpu.memory_space<semaphore_mem>>)
      %dma_wait3A_492 = arith.constant 0 : i32
      %dma_wait3A_493 = tpu.memref_slice %arg3[%mul3A_2, %dma_wait3A_492] : memref<12800x64xi32, #tpu.memory_space<hbm>> -> memref<400x64xi32, #tpu.memory_space<hbm>>
      %dma_wait3A_494 = arith.constant 0 : i32
      %dma_wait3A_495 = tpu.memref_slice %arg3[%mul3A_2, %dma_wait3A_494] : memref<12800x64xi32, #tpu.memory_space<hbm>> -> memref<400x64xi32, #tpu.memory_space<hbm>>
      tpu.wait_dma2 semaphore(%run_scoped3A : memref<!tpu.dma_semaphore, #tpu.memory_space<semaphore_mem>>) src(%dma_wait3A_495 : memref<400x64xi32, #tpu.memory_space<hbm>>) dst(%arg5 : memref<400x64xi32, #tpu.memory_space<vmem>>)
      tpu.yield
    }) : () -> ()
    %eq3A = arith.constant 0 : i32
    %eq3A_3 = arith.cmpi eq, %arg1, %eq3A : i32
    %convert_element_type3A = arith.extui %eq3A_3 : i1 to i32
    %cond3A = arith.constant 0 : i32
    %cond3A_4 = arith.cmpi ne, %convert_element_type3A, %cond3A : i32
    scf.if %cond3A_4 {
      "tpu.region"() ({
        %run_scoped3A = tpu.sem_alloc : memref<!tpu.dma_semaphore, #tpu.memory_space<semaphore_mem>>
        tpu.enqueue_dma source(%arg2 : memref<256x128xf32, #tpu.memory_space<hbm>>) target(%arg6 : memref<256x128xf32, #tpu.memory_space<vmem_shared>>) target_semaphore(%run_scoped3A : memref<!tpu.dma_semaphore, #tpu.memory_space<semaphore_mem>>)
        tpu.wait_dma2 semaphore(%run_scoped3A : memref<!tpu.dma_semaphore, #tpu.memory_space<semaphore_mem>>) src(%arg2 : memref<256x128xf32, #tpu.memory_space<hbm>>) dst(%arg6 : memref<256x128xf32, #tpu.memory_space<vmem_shared>>)
        tpu.yield
      }) : () -> ()
    } else {
    }
    %barrier3A = arith.constant 0 : index
    tpu.barrier barrier_id(%barrier3A)
    %dma_start3A = arith.constant 0 : i32
    %dma_start3A_5 = arith.constant 0 : i32
    %dma_start3A_6 = tpu.memref_slice %arg5[%dma_start3A, %dma_start3A_5] : memref<400x64xi32, #tpu.memory_space<vmem>> -> memref<1x64xi32, #tpu.memory_space<vmem>>
    %dma_start3A_7 = tpu.memref_squeeze %dma_start3A_6 : memref<1x64xi32, #tpu.memory_space<vmem>> -> memref<64xi32, #tpu.memory_space<vmem>>
    %dma_start3A_8 = arith.constant 0 : i32
    %dma_start3A_9 = arith.constant 0 : i32
    %dma_start3A_10 = tpu.memref_slice %arg6[%dma_start3A_8, %dma_start3A_9] : memref<256x128xf32, #tpu.memory_space<vmem_shared>> -> memref<256x128xf32, #tpu.memory_space<vmem_shared>>
    tpu.enqueue_indirect_dma source(%dma_start3A_10 : memref<256x128xf32, #tpu.memory_space<vmem_shared>>) target(%arg7 : memref<64x128xf32, #tpu.memory_space<vmem>>) offsets(%dma_start3A_7 : memref<64xi32, #tpu.memory_space<vmem>>) semaphore(%arg15 : memref<!tpu.dma_semaphore, #tpu.memory_space<semaphore_mem>>)
    %dma_start3A_11 = arith.constant 1 : i32
    %dma_start3A_12 = arith.constant 0 : i32
    %dma_start3A_13 = tpu.memref_slice %arg5[%dma_start3A_11, %dma_start3A_12] : memref<400x64xi32, #tpu.memory_space<vmem>> -> memref<1x64xi32, #tpu.memory_space<vmem>>
    %dma_start3A_14 = tpu.memref_squeeze %dma_start3A_13 : memref<1x64xi32, #tpu.memory_space<vmem>> -> memref<64xi32, #tpu.memory_space<vmem>>
    %dma_start3A_15 = arith.constant 0 : i32
    %dma_start3A_16 = arith.constant 0 : i32
    %dma_start3A_17 = tpu.memref_slice %arg6[%dma_start3A_15, %dma_start3A_16] : memref<256x128xf32, #tpu.memory_space<vmem_shared>> -> memref<256x128xf32, #tpu.memory_space<vmem_shared>>
    tpu.enqueue_indirect_dma source(%dma_start3A_17 : memref<256x128xf32, #tpu.memory_space<vmem_shared>>) target(%arg8 : memref<64x128xf32, #tpu.memory_space<vmem>>) offsets(%dma_start3A_14 : memref<64xi32, #tpu.memory_space<vmem>>) semaphore(%arg16 : memref<!tpu.dma_semaphore, #tpu.memory_space<semaphore_mem>>)
    %dma_start3A_18 = arith.constant 2 : i32
    %dma_start3A_19 = arith.constant 0 : i32
    %dma_start3A_20 = tpu.memref_slice %arg5[%dma_start3A_18, %dma_start3A_19] : memref<400x64xi32, #tpu.memory_space<vmem>> -> memref<1x64xi32, #tpu.memory_space<vmem>>
    %dma_start3A_21 = tpu.memref_squeeze %dma_start3A_20 : memref<1x64xi32, #tpu.memory_space<vmem>> -> memref<64xi32, #tpu.memory_space<vmem>>
    %dma_start3A_22 = arith.constant 0 : i32
    %dma_start3A_23 = arith.constant 0 : i32
    %dma_start3A_24 = tpu.memref_slice %arg6[%dma_start3A_22, %dma_start3A_23] : memref<256x128xf32, #tpu.memory_space<vmem_shared>> -> memref<256x128xf32, #tpu.memory_space<vmem_shared>>
    tpu.enqueue_indirect_dma source(%dma_start3A_24 : memref<256x128xf32, #tpu.memory_space<vmem_shared>>) target(%arg9 : memref<64x128xf32, #tpu.memory_space<vmem>>) offsets(%dma_start3A_21 : memref<64xi32, #tpu.memory_space<vmem>>) semaphore(%arg17 : memref<!tpu.dma_semaphore, #tpu.memory_space<semaphore_mem>>)
    %dma_start3A_25 = arith.constant 3 : i32
    %dma_start3A_26 = arith.constant 0 : i32
    %dma_start3A_27 = tpu.memref_slice %arg5[%dma_start3A_25, %dma_start3A_26] : memref<400x64xi32, #tpu.memory_space<vmem>> -> memref<1x64xi32, #tpu.memory_space<vmem>>
    %dma_start3A_28 = tpu.memref_squeeze %dma_start3A_27 : memref<1x64xi32, #tpu.memory_space<vmem>> -> memref<64xi32, #tpu.memory_space<vmem>>
    %dma_start3A_29 = arith.constant 0 : i32
    %dma_start3A_30 = arith.constant 0 : i32
    %dma_start3A_31 = tpu.memref_slice %arg6[%dma_start3A_29, %dma_start3A_30] : memref<256x128xf32, #tpu.memory_space<vmem_shared>> -> memref<256x128xf32, #tpu.memory_space<vmem_shared>>
    tpu.enqueue_indirect_dma source(%dma_start3A_31 : memref<256x128xf32, #tpu.memory_space<vmem_shared>>) target(%arg10 : memref<64x128xf32, #tpu.memory_space<vmem>>) offsets(%dma_start3A_28 : memref<64xi32, #tpu.memory_space<vmem>>) semaphore(%arg18 : memref<!tpu.dma_semaphore, #tpu.memory_space<semaphore_mem>>)
    %dma_start3A_32 = arith.constant 4 : i32
    %dma_start3A_33 = arith.constant 0 : i32
    %dma_start3A_34 = tpu.memref_slice %arg5[%dma_start3A_32, %dma_start3A_33] : memref<400x64xi32, #tpu.memory_space<vmem>> -> memref<1x64xi32, #tpu.memory_space<vmem>>
    %dma_start3A_35 = tpu.memref_squeeze %dma_start3A_34 : memref<1x64xi32, #tpu.memory_space<vmem>> -> memref<64xi32, #tpu.memory_space<vmem>>
    %dma_start3A_36 = arith.constant 0 : i32
    %dma_start3A_37 = arith.constant 0 : i32
    %dma_start3A_38 = tpu.memref_slice %arg6[%dma_start3A_36, %dma_start3A_37] : memref<256x128xf32, #tpu.memory_space<vmem_shared>> -> memref<256x128xf32, #tpu.memory_space<vmem_shared>>
    tpu.enqueue_indirect_dma source(%dma_start3A_38 : memref<256x128xf32, #tpu.memory_space<vmem_shared>>) target(%arg11 : memref<64x128xf32, #tpu.memory_space<vmem>>) offsets(%dma_start3A_35 : memref<64xi32, #tpu.memory_space<vmem>>) semaphore(%arg19 : memref<!tpu.dma_semaphore, #tpu.memory_space<semaphore_mem>>)
    %dma_wait3A = arith.constant 0 : i32
    %dma_wait3A_39 = arith.constant 0 : i32
    %dma_wait3A_40 = tpu.memref_slice %arg5[%dma_wait3A, %dma_wait3A_39] : memref<400x64xi32, #tpu.memory_space<vmem>> -> memref<1x64xi32, #tpu.memory_space<vmem>>
    %dma_wait3A_41 = tpu.memref_squeeze %dma_wait3A_40 : memref<1x64xi32, #tpu.memory_space<vmem>> -> memref<64xi32, #tpu.memory_space<vmem>>
    %dma_wait3A_42 = arith.constant 0 : i32
    %dma_wait3A_43 = arith.constant 0 : i32
    %dma_wait3A_44 = tpu.memref_slice %arg6[%dma_wait3A_42, %dma_wait3A_43] : memref<256x128xf32, #tpu.memory_space<vmem_shared>> -> memref<256x128xf32, #tpu.memory_space<vmem_shared>>
    tpu.wait_indirect_dma semaphore(%arg15 : memref<!tpu.dma_semaphore, #tpu.memory_space<semaphore_mem>>) src(%dma_wait3A_44 : memref<256x128xf32, #tpu.memory_space<vmem_shared>>) dst(%arg7 : memref<64x128xf32, #tpu.memory_space<vmem>>)
    %add3A_45 = arith.constant 0 : i32
    %add3A_46 = arith.addi %mul3A_2, %add3A_45 : i32
    %mul3A_47 = arith.constant 64 : i32
    %mul3A_48 = arith.muli %add3A_46, %mul3A_47 : i32
    %dma_start3A_49 = arith.constant 0 : i32
    %dma_start3A_50 = tpu.memref_slice %arg4[%mul3A_48, %dma_start3A_49] : memref<819200x128xf32, #tpu.memory_space<hbm>> -> memref<64x128xf32, #tpu.memory_space<hbm>>
    %dma_start3A_51 = arith.constant 0 : i32
    %dma_start3A_52 = tpu.memref_slice %arg4[%mul3A_48, %dma_start3A_51] : memref<819200x128xf32, #tpu.memory_space<hbm>> -> memref<64x128xf32, #tpu.memory_space<hbm>>
    tpu.enqueue_dma source(%arg7 : memref<64x128xf32, #tpu.memory_space<vmem>>) target(%dma_start3A_52 : memref<64x128xf32, #tpu.memory_space<hbm>>) target_semaphore(%arg23 : memref<!tpu.dma_semaphore, #tpu.memory_space<semaphore_mem>>)
    %dma_start3A_53 = arith.constant 5 : i32
    %dma_start3A_54 = arith.constant 0 : i32
    %dma_start3A_55 = tpu.memref_slice %arg5[%dma_start3A_53, %dma_start3A_54] : memref<400x64xi32, #tpu.memory_space<vmem>> -> memref<1x64xi32, #tpu.memory_space<vmem>>
    %dma_start3A_56 = tpu.memref_squeeze %dma_start3A_55 : memref<1x64xi32, #tpu.memory_space<vmem>> -> memref<64xi32, #tpu.memory_space<vmem>>
    %dma_start3A_57 = arith.constant 0 : i32
    %dma_start3A_58 = arith.constant 0 : i32
    %dma_start3A_59 = tpu.memref_slice %arg6[%dma_start3A_57, %dma_start3A_58] : memref<256x128xf32, #tpu.memory_space<vmem_shared>> -> memref<256x128xf32, #tpu.memory_space<vmem_shared>>
    tpu.enqueue_indirect_dma source(%dma_start3A_59 : memref<256x128xf32, #tpu.memory_space<vmem_shared>>) target(%arg12 : memref<64x128xf32, #tpu.memory_space<vmem>>) offsets(%dma_start3A_56 : memref<64xi32, #tpu.memory_space<vmem>>) semaphore(%arg20 : memref<!tpu.dma_semaphore, #tpu.memory_space<semaphore_mem>>)
    %dma_wait3A_60 = arith.constant 1 : i32
    %dma_wait3A_61 = arith.constant 0 : i32
    %dma_wait3A_62 = tpu.memref_slice %arg5[%dma_wait3A_60, %dma_wait3A_61] : memref<400x64xi32, #tpu.memory_space<vmem>> -> memref<1x64xi32, #tpu.memory_space<vmem>>
    %dma_wait3A_63 = tpu.memref_squeeze %dma_wait3A_62 : memref<1x64xi32, #tpu.memory_space<vmem>> -> memref<64xi32, #tpu.memory_space<vmem>>
    %dma_wait3A_64 = arith.constant 0 : i32
    %dma_wait3A_65 = arith.constant 0 : i32
    %dma_wait3A_66 = tpu.memref_slice %arg6[%dma_wait3A_64, %dma_wait3A_65] : memref<256x128xf32, #tpu.memory_space<vmem_shared>> -> memref<256x128xf32, #tpu.memory_space<vmem_shared>>
    tpu.wait_indirect_dma semaphore(%arg16 : memref<!tpu.dma_semaphore, #tpu.memory_space<semaphore_mem>>) src(%dma_wait3A_66 : memref<256x128xf32, #tpu.memory_space<vmem_shared>>) dst(%arg8 : memref<64x128xf32, #tpu.memory_space<vmem>>)
    %add3A_67 = arith.constant 1 : i32
    %add3A_68 = arith.addi %mul3A_2, %add3A_67 : i32
    %mul3A_69 = arith.constant 64 : i32
    %mul3A_70 = arith.muli %add3A_68, %mul3A_69 : i32
    %dma_start3A_71 = arith.constant 0 : i32
    %dma_start3A_72 = tpu.memref_slice %arg4[%mul3A_70, %dma_start3A_71] : memref<819200x128xf32, #tpu.memory_space<hbm>> -> memref<64x128xf32, #tpu.memory_space<hbm>>
    %dma_start3A_73 = arith.constant 0 : i32
    %dma_start3A_74 = tpu.memref_slice %arg4[%mul3A_70, %dma_start3A_73] : memref<819200x128xf32, #tpu.memory_space<hbm>> -> memref<64x128xf32, #tpu.memory_space<hbm>>
    tpu.enqueue_dma source(%arg8 : memref<64x128xf32, #tpu.memory_space<vmem>>) target(%dma_start3A_74 : memref<64x128xf32, #tpu.memory_space<hbm>>) target_semaphore(%arg24 : memref<!tpu.dma_semaphore, #tpu.memory_space<semaphore_mem>>)
    %dma_start3A_75 = arith.constant 6 : i32
    %dma_start3A_76 = arith.constant 0 : i32
    %dma_start3A_77 = tpu.memref_slice %arg5[%dma_start3A_75, %dma_start3A_76] : memref<400x64xi32, #tpu.memory_space<vmem>> -> memref<1x64xi32, #tpu.memory_space<vmem>>
    %dma_start3A_78 = tpu.memref_squeeze %dma_start3A_77 : memref<1x64xi32, #tpu.memory_space<vmem>> -> memref<64xi32, #tpu.memory_space<vmem>>
    %dma_start3A_79 = arith.constant 0 : i32
    %dma_start3A_80 = arith.constant 0 : i32
    %dma_start3A_81 = tpu.memref_slice %arg6[%dma_start3A_79, %dma_start3A_80] : memref<256x128xf32, #tpu.memory_space<vmem_shared>> -> memref<256x128xf32, #tpu.memory_space<vmem_shared>>
    tpu.enqueue_indirect_dma source(%dma_start3A_81 : memref<256x128xf32, #tpu.memory_space<vmem_shared>>) target(%arg13 : memref<64x128xf32, #tpu.memory_space<vmem>>) offsets(%dma_start3A_78 : memref<64xi32, #tpu.memory_space<vmem>>) semaphore(%arg21 : memref<!tpu.dma_semaphore, #tpu.memory_space<semaphore_mem>>)
    %dma_wait3A_82 = arith.constant 2 : i32
    %dma_wait3A_83 = arith.constant 0 : i32
    %dma_wait3A_84 = tpu.memref_slice %arg5[%dma_wait3A_82, %dma_wait3A_83] : memref<400x64xi32, #tpu.memory_space<vmem>> -> memref<1x64xi32, #tpu.memory_space<vmem>>
    %dma_wait3A_85 = tpu.memref_squeeze %dma_wait3A_84 : memref<1x64xi32, #tpu.memory_space<vmem>> -> memref<64xi32, #tpu.memory_space<vmem>>
    %dma_wait3A_86 = arith.constant 0 : i32
    %dma_wait3A_87 = arith.constant 0 : i32
    %dma_wait3A_88 = tpu.memref_slice %arg6[%dma_wait3A_86, %dma_wait3A_87] : memref<256x128xf32, #tpu.memory_space<vmem_shared>> -> memref<256x128xf32, #tpu.memory_space<vmem_shared>>
    tpu.wait_indirect_dma semaphore(%arg17 : memref<!tpu.dma_semaphore, #tpu.memory_space<semaphore_mem>>) src(%dma_wait3A_88 : memref<256x128xf32, #tpu.memory_space<vmem_shared>>) dst(%arg9 : memref<64x128xf32, #tpu.memory_space<vmem>>)
    %add3A_89 = arith.constant 2 : i32
    %add3A_90 = arith.addi %mul3A_2, %add3A_89 : i32
    %mul3A_91 = arith.constant 64 : i32
    %mul3A_92 = arith.muli %add3A_90, %mul3A_91 : i32
    %dma_start3A_93 = arith.constant 0 : i32
    %dma_start3A_94 = tpu.memref_slice %arg4[%mul3A_92, %dma_start3A_93] : memref<819200x128xf32, #tpu.memory_space<hbm>> -> memref<64x128xf32, #tpu.memory_space<hbm>>
    %dma_start3A_95 = arith.constant 0 : i32
    %dma_start3A_96 = tpu.memref_slice %arg4[%mul3A_92, %dma_start3A_95] : memref<819200x128xf32, #tpu.memory_space<hbm>> -> memref<64x128xf32, #tpu.memory_space<hbm>>
    tpu.enqueue_dma source(%arg9 : memref<64x128xf32, #tpu.memory_space<vmem>>) target(%dma_start3A_96 : memref<64x128xf32, #tpu.memory_space<hbm>>) target_semaphore(%arg25 : memref<!tpu.dma_semaphore, #tpu.memory_space<semaphore_mem>>)
    %dma_start3A_97 = arith.constant 7 : i32
    %dma_start3A_98 = arith.constant 0 : i32
    %dma_start3A_99 = tpu.memref_slice %arg5[%dma_start3A_97, %dma_start3A_98] : memref<400x64xi32, #tpu.memory_space<vmem>> -> memref<1x64xi32, #tpu.memory_space<vmem>>
    %dma_start3A_100 = tpu.memref_squeeze %dma_start3A_99 : memref<1x64xi32, #tpu.memory_space<vmem>> -> memref<64xi32, #tpu.memory_space<vmem>>
    %dma_start3A_101 = arith.constant 0 : i32
    %dma_start3A_102 = arith.constant 0 : i32
    %dma_start3A_103 = tpu.memref_slice %arg6[%dma_start3A_101, %dma_start3A_102] : memref<256x128xf32, #tpu.memory_space<vmem_shared>> -> memref<256x128xf32, #tpu.memory_space<vmem_shared>>
    tpu.enqueue_indirect_dma source(%dma_start3A_103 : memref<256x128xf32, #tpu.memory_space<vmem_shared>>) target(%arg14 : memref<64x128xf32, #tpu.memory_space<vmem>>) offsets(%dma_start3A_100 : memref<64xi32, #tpu.memory_space<vmem>>) semaphore(%arg22 : memref<!tpu.dma_semaphore, #tpu.memory_space<semaphore_mem>>)
    %dma_wait3A_104 = arith.constant 3 : i32
    %dma_wait3A_105 = arith.constant 0 : i32
    %dma_wait3A_106 = tpu.memref_slice %arg5[%dma_wait3A_104, %dma_wait3A_105] : memref<400x64xi32, #tpu.memory_space<vmem>> -> memref<1x64xi32, #tpu.memory_space<vmem>>
    %dma_wait3A_107 = tpu.memref_squeeze %dma_wait3A_106 : memref<1x64xi32, #tpu.memory_space<vmem>> -> memref<64xi32, #tpu.memory_space<vmem>>
    %dma_wait3A_108 = arith.constant 0 : i32
    %dma_wait3A_109 = arith.constant 0 : i32
    %dma_wait3A_110 = tpu.memref_slice %arg6[%dma_wait3A_108, %dma_wait3A_109] : memref<256x128xf32, #tpu.memory_space<vmem_shared>> -> memref<256x128xf32, #tpu.memory_space<vmem_shared>>
    tpu.wait_indirect_dma semaphore(%arg18 : memref<!tpu.dma_semaphore, #tpu.memory_space<semaphore_mem>>) src(%dma_wait3A_110 : memref<256x128xf32, #tpu.memory_space<vmem_shared>>) dst(%arg10 : memref<64x128xf32, #tpu.memory_space<vmem>>)
    %add3A_111 = arith.constant 3 : i32
    %add3A_112 = arith.addi %mul3A_2, %add3A_111 : i32
    %mul3A_113 = arith.constant 64 : i32
    %mul3A_114 = arith.muli %add3A_112, %mul3A_113 : i32
    %dma_start3A_115 = arith.constant 0 : i32
    %dma_start3A_116 = tpu.memref_slice %arg4[%mul3A_114, %dma_start3A_115] : memref<819200x128xf32, #tpu.memory_space<hbm>> -> memref<64x128xf32, #tpu.memory_space<hbm>>
    %dma_start3A_117 = arith.constant 0 : i32
    %dma_start3A_118 = tpu.memref_slice %arg4[%mul3A_114, %dma_start3A_117] : memref<819200x128xf32, #tpu.memory_space<hbm>> -> memref<64x128xf32, #tpu.memory_space<hbm>>
    tpu.enqueue_dma source(%arg10 : memref<64x128xf32, #tpu.memory_space<vmem>>) target(%dma_start3A_118 : memref<64x128xf32, #tpu.memory_space<hbm>>) target_semaphore(%arg26 : memref<!tpu.dma_semaphore, #tpu.memory_space<semaphore_mem>>)
    %add3A_119 = arith.constant 0 : i32
    %add3A_120 = arith.addi %mul3A_2, %add3A_119 : i32
    %mul3A_121 = arith.constant 64 : i32
    %mul3A_122 = arith.muli %add3A_120, %mul3A_121 : i32
    %dma_wait3A_123 = arith.constant 0 : i32
    %dma_wait3A_124 = tpu.memref_slice %arg4[%mul3A_122, %dma_wait3A_123] : memref<819200x128xf32, #tpu.memory_space<hbm>> -> memref<64x128xf32, #tpu.memory_space<hbm>>
    %dma_wait3A_125 = arith.constant 0 : i32
    %dma_wait3A_126 = tpu.memref_slice %arg4[%mul3A_122, %dma_wait3A_125] : memref<819200x128xf32, #tpu.memory_space<hbm>> -> memref<64x128xf32, #tpu.memory_space<hbm>>
    tpu.wait_dma2 semaphore(%arg23 : memref<!tpu.dma_semaphore, #tpu.memory_space<semaphore_mem>>) src(%arg7 : memref<64x128xf32, #tpu.memory_space<vmem>>) dst(%dma_wait3A_126 : memref<64x128xf32, #tpu.memory_space<hbm>>)
    %dma_start3A_127 = arith.constant 8 : i32
    %dma_start3A_128 = arith.constant 0 : i32
    %dma_start3A_129 = tpu.memref_slice %arg5[%dma_start3A_127, %dma_start3A_128] : memref<400x64xi32, #tpu.memory_space<vmem>> -> memref<1x64xi32, #tpu.memory_space<vmem>>
    %dma_start3A_130 = tpu.memref_squeeze %dma_start3A_129 : memref<1x64xi32, #tpu.memory_space<vmem>> -> memref<64xi32, #tpu.memory_space<vmem>>
    %dma_start3A_131 = arith.constant 0 : i32
    %dma_start3A_132 = arith.constant 0 : i32
    %dma_start3A_133 = tpu.memref_slice %arg6[%dma_start3A_131, %dma_start3A_132] : memref<256x128xf32, #tpu.memory_space<vmem_shared>> -> memref<256x128xf32, #tpu.memory_space<vmem_shared>>
    tpu.enqueue_indirect_dma source(%dma_start3A_133 : memref<256x128xf32, #tpu.memory_space<vmem_shared>>) target(%arg7 : memref<64x128xf32, #tpu.memory_space<vmem>>) offsets(%dma_start3A_130 : memref<64xi32, #tpu.memory_space<vmem>>) semaphore(%arg15 : memref<!tpu.dma_semaphore, #tpu.memory_space<semaphore_mem>>)
    %dma_wait3A_134 = arith.constant 4 : i32
    %dma_wait3A_135 = arith.constant 0 : i32
    %dma_wait3A_136 = tpu.memref_slice %arg5[%dma_wait3A_134, %dma_wait3A_135] : memref<400x64xi32, #tpu.memory_space<vmem>> -> memref<1x64xi32, #tpu.memory_space<vmem>>
    %dma_wait3A_137 = tpu.memref_squeeze %dma_wait3A_136 : memref<1x64xi32, #tpu.memory_space<vmem>> -> memref<64xi32, #tpu.memory_space<vmem>>
    %dma_wait3A_138 = arith.constant 0 : i32
    %dma_wait3A_139 = arith.constant 0 : i32
    %dma_wait3A_140 = tpu.memref_slice %arg6[%dma_wait3A_138, %dma_wait3A_139] : memref<256x128xf32, #tpu.memory_space<vmem_shared>> -> memref<256x128xf32, #tpu.memory_space<vmem_shared>>
    tpu.wait_indirect_dma semaphore(%arg19 : memref<!tpu.dma_semaphore, #tpu.memory_space<semaphore_mem>>) src(%dma_wait3A_140 : memref<256x128xf32, #tpu.memory_space<vmem_shared>>) dst(%arg11 : memref<64x128xf32, #tpu.memory_space<vmem>>)
    %add3A_141 = arith.constant 4 : i32
    %add3A_142 = arith.addi %mul3A_2, %add3A_141 : i32
    %mul3A_143 = arith.constant 64 : i32
    %mul3A_144 = arith.muli %add3A_142, %mul3A_143 : i32
    %dma_start3A_145 = arith.constant 0 : i32
    %dma_start3A_146 = tpu.memref_slice %arg4[%mul3A_144, %dma_start3A_145] : memref<819200x128xf32, #tpu.memory_space<hbm>> -> memref<64x128xf32, #tpu.memory_space<hbm>>
    %dma_start3A_147 = arith.constant 0 : i32
    %dma_start3A_148 = tpu.memref_slice %arg4[%mul3A_144, %dma_start3A_147] : memref<819200x128xf32, #tpu.memory_space<hbm>> -> memref<64x128xf32, #tpu.memory_space<hbm>>
    tpu.enqueue_dma source(%arg11 : memref<64x128xf32, #tpu.memory_space<vmem>>) target(%dma_start3A_148 : memref<64x128xf32, #tpu.memory_space<hbm>>) target_semaphore(%arg27 : memref<!tpu.dma_semaphore, #tpu.memory_space<semaphore_mem>>)
    %add3A_149 = arith.constant 1 : i32
    %add3A_150 = arith.addi %mul3A_2, %add3A_149 : i32
    %mul3A_151 = arith.constant 64 : i32
    %mul3A_152 = arith.muli %add3A_150, %mul3A_151 : i32
    %dma_wait3A_153 = arith.constant 0 : i32
    %dma_wait3A_154 = tpu.memref_slice %arg4[%mul3A_152, %dma_wait3A_153] : memref<819200x128xf32, #tpu.memory_space<hbm>> -> memref<64x128xf32, #tpu.memory_space<hbm>>
    %dma_wait3A_155 = arith.constant 0 : i32
    %dma_wait3A_156 = tpu.memref_slice %arg4[%mul3A_152, %dma_wait3A_155] : memref<819200x128xf32, #tpu.memory_space<hbm>> -> memref<64x128xf32, #tpu.memory_space<hbm>>
    tpu.wait_dma2 semaphore(%arg24 : memref<!tpu.dma_semaphore, #tpu.memory_space<semaphore_mem>>) src(%arg8 : memref<64x128xf32, #tpu.memory_space<vmem>>) dst(%dma_wait3A_156 : memref<64x128xf32, #tpu.memory_space<hbm>>)
    %dma_start3A_157 = arith.constant 9 : i32
    %dma_start3A_158 = arith.constant 0 : i32
    %dma_start3A_159 = tpu.memref_slice %arg5[%dma_start3A_157, %dma_start3A_158] : memref<400x64xi32, #tpu.memory_space<vmem>> -> memref<1x64xi32, #tpu.memory_space<vmem>>
    %dma_start3A_160 = tpu.memref_squeeze %dma_start3A_159 : memref<1x64xi32, #tpu.memory_space<vmem>> -> memref<64xi32, #tpu.memory_space<vmem>>
    %dma_start3A_161 = arith.constant 0 : i32
    %dma_start3A_162 = arith.constant 0 : i32
    %dma_start3A_163 = tpu.memref_slice %arg6[%dma_start3A_161, %dma_start3A_162] : memref<256x128xf32, #tpu.memory_space<vmem_shared>> -> memref<256x128xf32, #tpu.memory_space<vmem_shared>>
    tpu.enqueue_indirect_dma source(%dma_start3A_163 : memref<256x128xf32, #tpu.memory_space<vmem_shared>>) target(%arg8 : memref<64x128xf32, #tpu.memory_space<vmem>>) offsets(%dma_start3A_160 : memref<64xi32, #tpu.memory_space<vmem>>) semaphore(%arg16 : memref<!tpu.dma_semaphore, #tpu.memory_space<semaphore_mem>>)
    %dma_wait3A_164 = arith.constant 5 : i32
    %dma_wait3A_165 = arith.constant 0 : i32
    %dma_wait3A_166 = tpu.memref_slice %arg5[%dma_wait3A_164, %dma_wait3A_165] : memref<400x64xi32, #tpu.memory_space<vmem>> -> memref<1x64xi32, #tpu.memory_space<vmem>>
    %dma_wait3A_167 = tpu.memref_squeeze %dma_wait3A_166 : memref<1x64xi32, #tpu.memory_space<vmem>> -> memref<64xi32, #tpu.memory_space<vmem>>
    %dma_wait3A_168 = arith.constant 0 : i32
    %dma_wait3A_169 = arith.constant 0 : i32
    %dma_wait3A_170 = tpu.memref_slice %arg6[%dma_wait3A_168, %dma_wait3A_169] : memref<256x128xf32, #tpu.memory_space<vmem_shared>> -> memref<256x128xf32, #tpu.memory_space<vmem_shared>>
    tpu.wait_indirect_dma semaphore(%arg20 : memref<!tpu.dma_semaphore, #tpu.memory_space<semaphore_mem>>) src(%dma_wait3A_170 : memref<256x128xf32, #tpu.memory_space<vmem_shared>>) dst(%arg12 : memref<64x128xf32, #tpu.memory_space<vmem>>)
    %add3A_171 = arith.constant 5 : i32
    %add3A_172 = arith.addi %mul3A_2, %add3A_171 : i32
    %mul3A_173 = arith.constant 64 : i32
    %mul3A_174 = arith.muli %add3A_172, %mul3A_173 : i32
    %dma_start3A_175 = arith.constant 0 : i32
    %dma_start3A_176 = tpu.memref_slice %arg4[%mul3A_174, %dma_start3A_175] : memref<819200x128xf32, #tpu.memory_space<hbm>> -> memref<64x128xf32, #tpu.memory_space<hbm>>
    %dma_start3A_177 = arith.constant 0 : i32
    %dma_start3A_178 = tpu.memref_slice %arg4[%mul3A_174, %dma_start3A_177] : memref<819200x128xf32, #tpu.memory_space<hbm>> -> memref<64x128xf32, #tpu.memory_space<hbm>>
    tpu.enqueue_dma source(%arg12 : memref<64x128xf32, #tpu.memory_space<vmem>>) target(%dma_start3A_178 : memref<64x128xf32, #tpu.memory_space<hbm>>) target_semaphore(%arg28 : memref<!tpu.dma_semaphore, #tpu.memory_space<semaphore_mem>>)
    %add3A_179 = arith.constant 2 : i32
    %add3A_180 = arith.addi %mul3A_2, %add3A_179 : i32
    %mul3A_181 = arith.constant 64 : i32
    %mul3A_182 = arith.muli %add3A_180, %mul3A_181 : i32
    %dma_wait3A_183 = arith.constant 0 : i32
    %dma_wait3A_184 = tpu.memref_slice %arg4[%mul3A_182, %dma_wait3A_183] : memref<819200x128xf32, #tpu.memory_space<hbm>> -> memref<64x128xf32, #tpu.memory_space<hbm>>
    %dma_wait3A_185 = arith.constant 0 : i32
    %dma_wait3A_186 = tpu.memref_slice %arg4[%mul3A_182, %dma_wait3A_185] : memref<819200x128xf32, #tpu.memory_space<hbm>> -> memref<64x128xf32, #tpu.memory_space<hbm>>
    tpu.wait_dma2 semaphore(%arg25 : memref<!tpu.dma_semaphore, #tpu.memory_space<semaphore_mem>>) src(%arg9 : memref<64x128xf32, #tpu.memory_space<vmem>>) dst(%dma_wait3A_186 : memref<64x128xf32, #tpu.memory_space<hbm>>)
    %dma_start3A_187 = arith.constant 10 : i32
    %dma_start3A_188 = arith.constant 0 : i32
    %dma_start3A_189 = tpu.memref_slice %arg5[%dma_start3A_187, %dma_start3A_188] : memref<400x64xi32, #tpu.memory_space<vmem>> -> memref<1x64xi32, #tpu.memory_space<vmem>>
    %dma_start3A_190 = tpu.memref_squeeze %dma_start3A_189 : memref<1x64xi32, #tpu.memory_space<vmem>> -> memref<64xi32, #tpu.memory_space<vmem>>
    %dma_start3A_191 = arith.constant 0 : i32
    %dma_start3A_192 = arith.constant 0 : i32
    %dma_start3A_193 = tpu.memref_slice %arg6[%dma_start3A_191, %dma_start3A_192] : memref<256x128xf32, #tpu.memory_space<vmem_shared>> -> memref<256x128xf32, #tpu.memory_space<vmem_shared>>
    tpu.enqueue_indirect_dma source(%dma_start3A_193 : memref<256x128xf32, #tpu.memory_space<vmem_shared>>) target(%arg9 : memref<64x128xf32, #tpu.memory_space<vmem>>) offsets(%dma_start3A_190 : memref<64xi32, #tpu.memory_space<vmem>>) semaphore(%arg17 : memref<!tpu.dma_semaphore, #tpu.memory_space<semaphore_mem>>)
    %dma_wait3A_194 = arith.constant 6 : i32
    %dma_wait3A_195 = arith.constant 0 : i32
    %dma_wait3A_196 = tpu.memref_slice %arg5[%dma_wait3A_194, %dma_wait3A_195] : memref<400x64xi32, #tpu.memory_space<vmem>> -> memref<1x64xi32, #tpu.memory_space<vmem>>
    %dma_wait3A_197 = tpu.memref_squeeze %dma_wait3A_196 : memref<1x64xi32, #tpu.memory_space<vmem>> -> memref<64xi32, #tpu.memory_space<vmem>>
    %dma_wait3A_198 = arith.constant 0 : i32
    %dma_wait3A_199 = arith.constant 0 : i32
    %dma_wait3A_200 = tpu.memref_slice %arg6[%dma_wait3A_198, %dma_wait3A_199] : memref<256x128xf32, #tpu.memory_space<vmem_shared>> -> memref<256x128xf32, #tpu.memory_space<vmem_shared>>
    tpu.wait_indirect_dma semaphore(%arg21 : memref<!tpu.dma_semaphore, #tpu.memory_space<semaphore_mem>>) src(%dma_wait3A_200 : memref<256x128xf32, #tpu.memory_space<vmem_shared>>) dst(%arg13 : memref<64x128xf32, #tpu.memory_space<vmem>>)
    %add3A_201 = arith.constant 6 : i32
    %add3A_202 = arith.addi %mul3A_2, %add3A_201 : i32
    %mul3A_203 = arith.constant 64 : i32
    %mul3A_204 = arith.muli %add3A_202, %mul3A_203 : i32
    %dma_start3A_205 = arith.constant 0 : i32
    %dma_start3A_206 = tpu.memref_slice %arg4[%mul3A_204, %dma_start3A_205] : memref<819200x128xf32, #tpu.memory_space<hbm>> -> memref<64x128xf32, #tpu.memory_space<hbm>>
    %dma_start3A_207 = arith.constant 0 : i32
    %dma_start3A_208 = tpu.memref_slice %arg4[%mul3A_204, %dma_start3A_207] : memref<819200x128xf32, #tpu.memory_space<hbm>> -> memref<64x128xf32, #tpu.memory_space<hbm>>
    tpu.enqueue_dma source(%arg13 : memref<64x128xf32, #tpu.memory_space<vmem>>) target(%dma_start3A_208 : memref<64x128xf32, #tpu.memory_space<hbm>>) target_semaphore(%arg29 : memref<!tpu.dma_semaphore, #tpu.memory_space<semaphore_mem>>)
    %add3A_209 = arith.constant 3 : i32
    %add3A_210 = arith.addi %mul3A_2, %add3A_209 : i32
    %mul3A_211 = arith.constant 64 : i32
    %mul3A_212 = arith.muli %add3A_210, %mul3A_211 : i32
    %dma_wait3A_213 = arith.constant 0 : i32
    %dma_wait3A_214 = tpu.memref_slice %arg4[%mul3A_212, %dma_wait3A_213] : memref<819200x128xf32, #tpu.memory_space<hbm>> -> memref<64x128xf32, #tpu.memory_space<hbm>>
    %dma_wait3A_215 = arith.constant 0 : i32
    %dma_wait3A_216 = tpu.memref_slice %arg4[%mul3A_212, %dma_wait3A_215] : memref<819200x128xf32, #tpu.memory_space<hbm>> -> memref<64x128xf32, #tpu.memory_space<hbm>>
    tpu.wait_dma2 semaphore(%arg26 : memref<!tpu.dma_semaphore, #tpu.memory_space<semaphore_mem>>) src(%arg10 : memref<64x128xf32, #tpu.memory_space<vmem>>) dst(%dma_wait3A_216 : memref<64x128xf32, #tpu.memory_space<hbm>>)
    %dma_start3A_217 = arith.constant 11 : i32
    %dma_start3A_218 = arith.constant 0 : i32
    %dma_start3A_219 = tpu.memref_slice %arg5[%dma_start3A_217, %dma_start3A_218] : memref<400x64xi32, #tpu.memory_space<vmem>> -> memref<1x64xi32, #tpu.memory_space<vmem>>
    %dma_start3A_220 = tpu.memref_squeeze %dma_start3A_219 : memref<1x64xi32, #tpu.memory_space<vmem>> -> memref<64xi32, #tpu.memory_space<vmem>>
    %dma_start3A_221 = arith.constant 0 : i32
    %dma_start3A_222 = arith.constant 0 : i32
    %dma_start3A_223 = tpu.memref_slice %arg6[%dma_start3A_221, %dma_start3A_222] : memref<256x128xf32, #tpu.memory_space<vmem_shared>> -> memref<256x128xf32, #tpu.memory_space<vmem_shared>>
    tpu.enqueue_indirect_dma source(%dma_start3A_223 : memref<256x128xf32, #tpu.memory_space<vmem_shared>>) target(%arg10 : memref<64x128xf32, #tpu.memory_space<vmem>>) offsets(%dma_start3A_220 : memref<64xi32, #tpu.memory_space<vmem>>) semaphore(%arg18 : memref<!tpu.dma_semaphore, #tpu.memory_space<semaphore_mem>>)
    %dma_wait3A_224 = arith.constant 7 : i32
    %dma_wait3A_225 = arith.constant 0 : i32
    %dma_wait3A_226 = tpu.memref_slice %arg5[%dma_wait3A_224, %dma_wait3A_225] : memref<400x64xi32, #tpu.memory_space<vmem>> -> memref<1x64xi32, #tpu.memory_space<vmem>>
    %dma_wait3A_227 = tpu.memref_squeeze %dma_wait3A_226 : memref<1x64xi32, #tpu.memory_space<vmem>> -> memref<64xi32, #tpu.memory_space<vmem>>
    %dma_wait3A_228 = arith.constant 0 : i32
    %dma_wait3A_229 = arith.constant 0 : i32
    %dma_wait3A_230 = tpu.memref_slice %arg6[%dma_wait3A_228, %dma_wait3A_229] : memref<256x128xf32, #tpu.memory_space<vmem_shared>> -> memref<256x128xf32, #tpu.memory_space<vmem_shared>>
    tpu.wait_indirect_dma semaphore(%arg22 : memref<!tpu.dma_semaphore, #tpu.memory_space<semaphore_mem>>) src(%dma_wait3A_230 : memref<256x128xf32, #tpu.memory_space<vmem_shared>>) dst(%arg14 : memref<64x128xf32, #tpu.memory_space<vmem>>)
    %add3A_231 = arith.constant 7 : i32
    %add3A_232 = arith.addi %mul3A_2, %add3A_231 : i32
    %mul3A_233 = arith.constant 64 : i32
    %mul3A_234 = arith.muli %add3A_232, %mul3A_233 : i32
    %dma_start3A_235 = arith.constant 0 : i32
    %dma_start3A_236 = tpu.memref_slice %arg4[%mul3A_234, %dma_start3A_235] : memref<819200x128xf32, #tpu.memory_space<hbm>> -> memref<64x128xf32, #tpu.memory_space<hbm>>
    %dma_start3A_237 = arith.constant 0 : i32
    %dma_start3A_238 = tpu.memref_slice %arg4[%mul3A_234, %dma_start3A_237] : memref<819200x128xf32, #tpu.memory_space<hbm>> -> memref<64x128xf32, #tpu.memory_space<hbm>>
    tpu.enqueue_dma source(%arg14 : memref<64x128xf32, #tpu.memory_space<vmem>>) target(%dma_start3A_238 : memref<64x128xf32, #tpu.memory_space<hbm>>) target_semaphore(%arg30 : memref<!tpu.dma_semaphore, #tpu.memory_space<semaphore_mem>>)
    %scan3A = arith.constant 0 : i32
    %scan3A_239 = arith.constant 1 : i32
    %scan3A_240 = arith.constant 48 : i32
    %scan3A_241 = arith.addi %scan3A_239, %scan3A_240 : i32
    %scan3A_242 = arith.constant 1 : i32
    scf.for %scan3A_488 = %scan3A_239 to %scan3A_241 step %scan3A_242  : i32 {
      %mul3A_489 = arith.constant 8 : i32
      %mul3A_490 = arith.muli %mul3A_489, %scan3A_488 : i32
      %add3A_491 = arith.constant 0 : i32
      %add3A_492 = arith.addi %mul3A_490, %add3A_491 : i32
      %add3A_493 = arith.constant 4 : i32
      %add3A_494 = arith.addi %add3A_492, %add3A_493 : i32
      %sub3A = arith.constant 8 : i32
      %sub3A_495 = arith.subi %add3A_494, %sub3A : i32
      %add3A_496 = arith.addi %mul3A_2, %sub3A_495 : i32
      %mul3A_497 = arith.constant 64 : i32
      %mul3A_498 = arith.muli %add3A_496, %mul3A_497 : i32
      %dma_wait3A_499 = arith.constant 0 : i32
      %dma_wait3A_500 = tpu.memref_slice %arg4[%mul3A_498, %dma_wait3A_499] : memref<819200x128xf32, #tpu.memory_space<hbm>> -> memref<64x128xf32, #tpu.memory_space<hbm>>
      %dma_wait3A_501 = arith.constant 0 : i32
      %dma_wait3A_502 = tpu.memref_slice %arg4[%mul3A_498, %dma_wait3A_501] : memref<819200x128xf32, #tpu.memory_space<hbm>> -> memref<64x128xf32, #tpu.memory_space<hbm>>
      tpu.wait_dma2 semaphore(%arg27 : memref<!tpu.dma_semaphore, #tpu.memory_space<semaphore_mem>>) src(%arg11 : memref<64x128xf32, #tpu.memory_space<vmem>>) dst(%dma_wait3A_502 : memref<64x128xf32, #tpu.memory_space<hbm>>)
      %dma_start3A_503 = arith.constant 0 : i32
      %dma_start3A_504 = tpu.memref_slice %arg5[%add3A_494, %dma_start3A_503] : memref<400x64xi32, #tpu.memory_space<vmem>> -> memref<1x64xi32, #tpu.memory_space<vmem>>
      %dma_start3A_505 = tpu.memref_squeeze %dma_start3A_504 : memref<1x64xi32, #tpu.memory_space<vmem>> -> memref<64xi32, #tpu.memory_space<vmem>>
      %dma_start3A_506 = arith.constant 0 : i32
      %dma_start3A_507 = arith.constant 0 : i32
      %dma_start3A_508 = tpu.memref_slice %arg6[%dma_start3A_506, %dma_start3A_507] : memref<256x128xf32, #tpu.memory_space<vmem_shared>> -> memref<256x128xf32, #tpu.memory_space<vmem_shared>>
      tpu.enqueue_indirect_dma source(%dma_start3A_508 : memref<256x128xf32, #tpu.memory_space<vmem_shared>>) target(%arg11 : memref<64x128xf32, #tpu.memory_space<vmem>>) offsets(%dma_start3A_505 : memref<64xi32, #tpu.memory_space<vmem>>) semaphore(%arg19 : memref<!tpu.dma_semaphore, #tpu.memory_space<semaphore_mem>>)
      %dma_wait3A_509 = arith.constant 0 : i32
      %dma_wait3A_510 = tpu.memref_slice %arg5[%add3A_492, %dma_wait3A_509] : memref<400x64xi32, #tpu.memory_space<vmem>> -> memref<1x64xi32, #tpu.memory_space<vmem>>
      %dma_wait3A_511 = tpu.memref_squeeze %dma_wait3A_510 : memref<1x64xi32, #tpu.memory_space<vmem>> -> memref<64xi32, #tpu.memory_space<vmem>>
      %dma_wait3A_512 = arith.constant 0 : i32
      %dma_wait3A_513 = arith.constant 0 : i32
      %dma_wait3A_514 = tpu.memref_slice %arg6[%dma_wait3A_512, %dma_wait3A_513] : memref<256x128xf32, #tpu.memory_space<vmem_shared>> -> memref<256x128xf32, #tpu.memory_space<vmem_shared>>
      tpu.wait_indirect_dma semaphore(%arg15 : memref<!tpu.dma_semaphore, #tpu.memory_space<semaphore_mem>>) src(%dma_wait3A_514 : memref<256x128xf32, #tpu.memory_space<vmem_shared>>) dst(%arg7 : memref<64x128xf32, #tpu.memory_space<vmem>>)
      %add3A_515 = arith.addi %mul3A_2, %add3A_492 : i32
      %mul3A_516 = arith.constant 64 : i32
      %mul3A_517 = arith.muli %add3A_515, %mul3A_516 : i32
      %dma_start3A_518 = arith.constant 0 : i32
      %dma_start3A_519 = tpu.memref_slice %arg4[%mul3A_517, %dma_start3A_518] : memref<819200x128xf32, #tpu.memory_space<hbm>> -> memref<64x128xf32, #tpu.memory_space<hbm>>
      %dma_start3A_520 = arith.constant 0 : i32
      %dma_start3A_521 = tpu.memref_slice %arg4[%mul3A_517, %dma_start3A_520] : memref<819200x128xf32, #tpu.memory_space<hbm>> -> memref<64x128xf32, #tpu.memory_space<hbm>>
      tpu.enqueue_dma source(%arg7 : memref<64x128xf32, #tpu.memory_space<vmem>>) target(%dma_start3A_521 : memref<64x128xf32, #tpu.memory_space<hbm>>) target_semaphore(%arg23 : memref<!tpu.dma_semaphore, #tpu.memory_space<semaphore_mem>>)
      %add3A_522 = arith.constant 1 : i32
      %add3A_523 = arith.addi %mul3A_490, %add3A_522 : i32
      %add3A_524 = arith.constant 4 : i32
      %add3A_525 = arith.addi %add3A_523, %add3A_524 : i32
      %sub3A_526 = arith.constant 8 : i32
      %sub3A_527 = arith.subi %add3A_525, %sub3A_526 : i32
      %add3A_528 = arith.addi %mul3A_2, %sub3A_527 : i32
      %mul3A_529 = arith.constant 64 : i32
      %mul3A_530 = arith.muli %add3A_528, %mul3A_529 : i32
      %dma_wait3A_531 = arith.constant 0 : i32
      %dma_wait3A_532 = tpu.memref_slice %arg4[%mul3A_530, %dma_wait3A_531] : memref<819200x128xf32, #tpu.memory_space<hbm>> -> memref<64x128xf32, #tpu.memory_space<hbm>>
      %dma_wait3A_533 = arith.constant 0 : i32
      %dma_wait3A_534 = tpu.memref_slice %arg4[%mul3A_530, %dma_wait3A_533] : memref<819200x128xf32, #tpu.memory_space<hbm>> -> memref<64x128xf32, #tpu.memory_space<hbm>>
      tpu.wait_dma2 semaphore(%arg28 : memref<!tpu.dma_semaphore, #tpu.memory_space<semaphore_mem>>) src(%arg12 : memref<64x128xf32, #tpu.memory_space<vmem>>) dst(%dma_wait3A_534 : memref<64x128xf32, #tpu.memory_space<hbm>>)
      %dma_start3A_535 = arith.constant 0 : i32
      %dma_start3A_536 = tpu.memref_slice %arg5[%add3A_525, %dma_start3A_535] : memref<400x64xi32, #tpu.memory_space<vmem>> -> memref<1x64xi32, #tpu.memory_space<vmem>>
      %dma_start3A_537 = tpu.memref_squeeze %dma_start3A_536 : memref<1x64xi32, #tpu.memory_space<vmem>> -> memref<64xi32, #tpu.memory_space<vmem>>
      %dma_start3A_538 = arith.constant 0 : i32
      %dma_start3A_539 = arith.constant 0 : i32
      %dma_start3A_540 = tpu.memref_slice %arg6[%dma_start3A_538, %dma_start3A_539] : memref<256x128xf32, #tpu.memory_space<vmem_shared>> -> memref<256x128xf32, #tpu.memory_space<vmem_shared>>
      tpu.enqueue_indirect_dma source(%dma_start3A_540 : memref<256x128xf32, #tpu.memory_space<vmem_shared>>) target(%arg12 : memref<64x128xf32, #tpu.memory_space<vmem>>) offsets(%dma_start3A_537 : memref<64xi32, #tpu.memory_space<vmem>>) semaphore(%arg20 : memref<!tpu.dma_semaphore, #tpu.memory_space<semaphore_mem>>)
      %dma_wait3A_541 = arith.constant 0 : i32
      %dma_wait3A_542 = tpu.memref_slice %arg5[%add3A_523, %dma_wait3A_541] : memref<400x64xi32, #tpu.memory_space<vmem>> -> memref<1x64xi32, #tpu.memory_space<vmem>>
      %dma_wait3A_543 = tpu.memref_squeeze %dma_wait3A_542 : memref<1x64xi32, #tpu.memory_space<vmem>> -> memref<64xi32, #tpu.memory_space<vmem>>
      %dma_wait3A_544 = arith.constant 0 : i32
      %dma_wait3A_545 = arith.constant 0 : i32
      %dma_wait3A_546 = tpu.memref_slice %arg6[%dma_wait3A_544, %dma_wait3A_545] : memref<256x128xf32, #tpu.memory_space<vmem_shared>> -> memref<256x128xf32, #tpu.memory_space<vmem_shared>>
      tpu.wait_indirect_dma semaphore(%arg16 : memref<!tpu.dma_semaphore, #tpu.memory_space<semaphore_mem>>) src(%dma_wait3A_546 : memref<256x128xf32, #tpu.memory_space<vmem_shared>>) dst(%arg8 : memref<64x128xf32, #tpu.memory_space<vmem>>)
      %add3A_547 = arith.addi %mul3A_2, %add3A_523 : i32
      %mul3A_548 = arith.constant 64 : i32
      %mul3A_549 = arith.muli %add3A_547, %mul3A_548 : i32
      %dma_start3A_550 = arith.constant 0 : i32
      %dma_start3A_551 = tpu.memref_slice %arg4[%mul3A_549, %dma_start3A_550] : memref<819200x128xf32, #tpu.memory_space<hbm>> -> memref<64x128xf32, #tpu.memory_space<hbm>>
      %dma_start3A_552 = arith.constant 0 : i32
      %dma_start3A_553 = tpu.memref_slice %arg4[%mul3A_549, %dma_start3A_552] : memref<819200x128xf32, #tpu.memory_space<hbm>> -> memref<64x128xf32, #tpu.memory_space<hbm>>
      tpu.enqueue_dma source(%arg8 : memref<64x128xf32, #tpu.memory_space<vmem>>) target(%dma_start3A_553 : memref<64x128xf32, #tpu.memory_space<hbm>>) target_semaphore(%arg24 : memref<!tpu.dma_semaphore, #tpu.memory_space<semaphore_mem>>)
      %add3A_554 = arith.constant 2 : i32
      %add3A_555 = arith.addi %mul3A_490, %add3A_554 : i32
      %add3A_556 = arith.constant 4 : i32
      %add3A_557 = arith.addi %add3A_555, %add3A_556 : i32
      %sub3A_558 = arith.constant 8 : i32
      %sub3A_559 = arith.subi %add3A_557, %sub3A_558 : i32
      %add3A_560 = arith.addi %mul3A_2, %sub3A_559 : i32
      %mul3A_561 = arith.constant 64 : i32
      %mul3A_562 = arith.muli %add3A_560, %mul3A_561 : i32
      %dma_wait3A_563 = arith.constant 0 : i32
      %dma_wait3A_564 = tpu.memref_slice %arg4[%mul3A_562, %dma_wait3A_563] : memref<819200x128xf32, #tpu.memory_space<hbm>> -> memref<64x128xf32, #tpu.memory_space<hbm>>
      %dma_wait3A_565 = arith.constant 0 : i32
      %dma_wait3A_566 = tpu.memref_slice %arg4[%mul3A_562, %dma_wait3A_565] : memref<819200x128xf32, #tpu.memory_space<hbm>> -> memref<64x128xf32, #tpu.memory_space<hbm>>
      tpu.wait_dma2 semaphore(%arg29 : memref<!tpu.dma_semaphore, #tpu.memory_space<semaphore_mem>>) src(%arg13 : memref<64x128xf32, #tpu.memory_space<vmem>>) dst(%dma_wait3A_566 : memref<64x128xf32, #tpu.memory_space<hbm>>)
      %dma_start3A_567 = arith.constant 0 : i32
      %dma_start3A_568 = tpu.memref_slice %arg5[%add3A_557, %dma_start3A_567] : memref<400x64xi32, #tpu.memory_space<vmem>> -> memref<1x64xi32, #tpu.memory_space<vmem>>
      %dma_start3A_569 = tpu.memref_squeeze %dma_start3A_568 : memref<1x64xi32, #tpu.memory_space<vmem>> -> memref<64xi32, #tpu.memory_space<vmem>>
      %dma_start3A_570 = arith.constant 0 : i32
      %dma_start3A_571 = arith.constant 0 : i32
      %dma_start3A_572 = tpu.memref_slice %arg6[%dma_start3A_570, %dma_start3A_571] : memref<256x128xf32, #tpu.memory_space<vmem_shared>> -> memref<256x128xf32, #tpu.memory_space<vmem_shared>>
      tpu.enqueue_indirect_dma source(%dma_start3A_572 : memref<256x128xf32, #tpu.memory_space<vmem_shared>>) target(%arg13 : memref<64x128xf32, #tpu.memory_space<vmem>>) offsets(%dma_start3A_569 : memref<64xi32, #tpu.memory_space<vmem>>) semaphore(%arg21 : memref<!tpu.dma_semaphore, #tpu.memory_space<semaphore_mem>>)
      %dma_wait3A_573 = arith.constant 0 : i32
      %dma_wait3A_574 = tpu.memref_slice %arg5[%add3A_555, %dma_wait3A_573] : memref<400x64xi32, #tpu.memory_space<vmem>> -> memref<1x64xi32, #tpu.memory_space<vmem>>
      %dma_wait3A_575 = tpu.memref_squeeze %dma_wait3A_574 : memref<1x64xi32, #tpu.memory_space<vmem>> -> memref<64xi32, #tpu.memory_space<vmem>>
      %dma_wait3A_576 = arith.constant 0 : i32
      %dma_wait3A_577 = arith.constant 0 : i32
      %dma_wait3A_578 = tpu.memref_slice %arg6[%dma_wait3A_576, %dma_wait3A_577] : memref<256x128xf32, #tpu.memory_space<vmem_shared>> -> memref<256x128xf32, #tpu.memory_space<vmem_shared>>
      tpu.wait_indirect_dma semaphore(%arg17 : memref<!tpu.dma_semaphore, #tpu.memory_space<semaphore_mem>>) src(%dma_wait3A_578 : memref<256x128xf32, #tpu.memory_space<vmem_shared>>) dst(%arg9 : memref<64x128xf32, #tpu.memory_space<vmem>>)
      %add3A_579 = arith.addi %mul3A_2, %add3A_555 : i32
      %mul3A_580 = arith.constant 64 : i32
      %mul3A_581 = arith.muli %add3A_579, %mul3A_580 : i32
      %dma_start3A_582 = arith.constant 0 : i32
      %dma_start3A_583 = tpu.memref_slice %arg4[%mul3A_581, %dma_start3A_582] : memref<819200x128xf32, #tpu.memory_space<hbm>> -> memref<64x128xf32, #tpu.memory_space<hbm>>
      %dma_start3A_584 = arith.constant 0 : i32
      %dma_start3A_585 = tpu.memref_slice %arg4[%mul3A_581, %dma_start3A_584] : memref<819200x128xf32, #tpu.memory_space<hbm>> -> memref<64x128xf32, #tpu.memory_space<hbm>>
      tpu.enqueue_dma source(%arg9 : memref<64x128xf32, #tpu.memory_space<vmem>>) target(%dma_start3A_585 : memref<64x128xf32, #tpu.memory_space<hbm>>) target_semaphore(%arg25 : memref<!tpu.dma_semaphore, #tpu.memory_space<semaphore_mem>>)
      %add3A_586 = arith.constant 3 : i32
      %add3A_587 = arith.addi %mul3A_490, %add3A_586 : i32
      %add3A_588 = arith.constant 4 : i32
      %add3A_589 = arith.addi %add3A_587, %add3A_588 : i32
      %sub3A_590 = arith.constant 8 : i32
      %sub3A_591 = arith.subi %add3A_589, %sub3A_590 : i32
      %add3A_592 = arith.addi %mul3A_2, %sub3A_591 : i32
      %mul3A_593 = arith.constant 64 : i32
      %mul3A_594 = arith.muli %add3A_592, %mul3A_593 : i32
      %dma_wait3A_595 = arith.constant 0 : i32
      %dma_wait3A_596 = tpu.memref_slice %arg4[%mul3A_594, %dma_wait3A_595] : memref<819200x128xf32, #tpu.memory_space<hbm>> -> memref<64x128xf32, #tpu.memory_space<hbm>>
      %dma_wait3A_597 = arith.constant 0 : i32
      %dma_wait3A_598 = tpu.memref_slice %arg4[%mul3A_594, %dma_wait3A_597] : memref<819200x128xf32, #tpu.memory_space<hbm>> -> memref<64x128xf32, #tpu.memory_space<hbm>>
      tpu.wait_dma2 semaphore(%arg30 : memref<!tpu.dma_semaphore, #tpu.memory_space<semaphore_mem>>) src(%arg14 : memref<64x128xf32, #tpu.memory_space<vmem>>) dst(%dma_wait3A_598 : memref<64x128xf32, #tpu.memory_space<hbm>>)
      %dma_start3A_599 = arith.constant 0 : i32
      %dma_start3A_600 = tpu.memref_slice %arg5[%add3A_589, %dma_start3A_599] : memref<400x64xi32, #tpu.memory_space<vmem>> -> memref<1x64xi32, #tpu.memory_space<vmem>>
      %dma_start3A_601 = tpu.memref_squeeze %dma_start3A_600 : memref<1x64xi32, #tpu.memory_space<vmem>> -> memref<64xi32, #tpu.memory_space<vmem>>
      %dma_start3A_602 = arith.constant 0 : i32
      %dma_start3A_603 = arith.constant 0 : i32
      %dma_start3A_604 = tpu.memref_slice %arg6[%dma_start3A_602, %dma_start3A_603] : memref<256x128xf32, #tpu.memory_space<vmem_shared>> -> memref<256x128xf32, #tpu.memory_space<vmem_shared>>
      tpu.enqueue_indirect_dma source(%dma_start3A_604 : memref<256x128xf32, #tpu.memory_space<vmem_shared>>) target(%arg14 : memref<64x128xf32, #tpu.memory_space<vmem>>) offsets(%dma_start3A_601 : memref<64xi32, #tpu.memory_space<vmem>>) semaphore(%arg22 : memref<!tpu.dma_semaphore, #tpu.memory_space<semaphore_mem>>)
      %dma_wait3A_605 = arith.constant 0 : i32
      %dma_wait3A_606 = tpu.memref_slice %arg5[%add3A_587, %dma_wait3A_605] : memref<400x64xi32, #tpu.memory_space<vmem>> -> memref<1x64xi32, #tpu.memory_space<vmem>>
      %dma_wait3A_607 = tpu.memref_squeeze %dma_wait3A_606 : memref<1x64xi32, #tpu.memory_space<vmem>> -> memref<64xi32, #tpu.memory_space<vmem>>
      %dma_wait3A_608 = arith.constant 0 : i32
      %dma_wait3A_609 = arith.constant 0 : i32
      %dma_wait3A_610 = tpu.memref_slice %arg6[%dma_wait3A_608, %dma_wait3A_609] : memref<256x128xf32, #tpu.memory_space<vmem_shared>> -> memref<256x128xf32, #tpu.memory_space<vmem_shared>>
      tpu.wait_indirect_dma semaphore(%arg18 : memref<!tpu.dma_semaphore, #tpu.memory_space<semaphore_mem>>) src(%dma_wait3A_610 : memref<256x128xf32, #tpu.memory_space<vmem_shared>>) dst(%arg10 : memref<64x128xf32, #tpu.memory_space<vmem>>)
      %add3A_611 = arith.addi %mul3A_2, %add3A_587 : i32
      %mul3A_612 = arith.constant 64 : i32
      %mul3A_613 = arith.muli %add3A_611, %mul3A_612 : i32
      %dma_start3A_614 = arith.constant 0 : i32
      %dma_start3A_615 = tpu.memref_slice %arg4[%mul3A_613, %dma_start3A_614] : memref<819200x128xf32, #tpu.memory_space<hbm>> -> memref<64x128xf32, #tpu.memory_space<hbm>>
      %dma_start3A_616 = arith.constant 0 : i32
      %dma_start3A_617 = tpu.memref_slice %arg4[%mul3A_613, %dma_start3A_616] : memref<819200x128xf32, #tpu.memory_space<hbm>> -> memref<64x128xf32, #tpu.memory_space<hbm>>
      tpu.enqueue_dma source(%arg10 : memref<64x128xf32, #tpu.memory_space<vmem>>) target(%dma_start3A_617 : memref<64x128xf32, #tpu.memory_space<hbm>>) target_semaphore(%arg26 : memref<!tpu.dma_semaphore, #tpu.memory_space<semaphore_mem>>)
      %add3A_618 = arith.constant 4 : i32
      %add3A_619 = arith.addi %mul3A_490, %add3A_618 : i32
      %add3A_620 = arith.constant 4 : i32
      %add3A_621 = arith.addi %add3A_619, %add3A_620 : i32
      %sub3A_622 = arith.constant 8 : i32
      %sub3A_623 = arith.subi %add3A_621, %sub3A_622 : i32
      %add3A_624 = arith.addi %mul3A_2, %sub3A_623 : i32
      %mul3A_625 = arith.constant 64 : i32
      %mul3A_626 = arith.muli %add3A_624, %mul3A_625 : i32
      %dma_wait3A_627 = arith.constant 0 : i32
      %dma_wait3A_628 = tpu.memref_slice %arg4[%mul3A_626, %dma_wait3A_627] : memref<819200x128xf32, #tpu.memory_space<hbm>> -> memref<64x128xf32, #tpu.memory_space<hbm>>
      %dma_wait3A_629 = arith.constant 0 : i32
      %dma_wait3A_630 = tpu.memref_slice %arg4[%mul3A_626, %dma_wait3A_629] : memref<819200x128xf32, #tpu.memory_space<hbm>> -> memref<64x128xf32, #tpu.memory_space<hbm>>
      tpu.wait_dma2 semaphore(%arg23 : memref<!tpu.dma_semaphore, #tpu.memory_space<semaphore_mem>>) src(%arg7 : memref<64x128xf32, #tpu.memory_space<vmem>>) dst(%dma_wait3A_630 : memref<64x128xf32, #tpu.memory_space<hbm>>)
      %dma_start3A_631 = arith.constant 0 : i32
      %dma_start3A_632 = tpu.memref_slice %arg5[%add3A_621, %dma_start3A_631] : memref<400x64xi32, #tpu.memory_space<vmem>> -> memref<1x64xi32, #tpu.memory_space<vmem>>
      %dma_start3A_633 = tpu.memref_squeeze %dma_start3A_632 : memref<1x64xi32, #tpu.memory_space<vmem>> -> memref<64xi32, #tpu.memory_space<vmem>>
      %dma_start3A_634 = arith.constant 0 : i32
      %dma_start3A_635 = arith.constant 0 : i32
      %dma_start3A_636 = tpu.memref_slice %arg6[%dma_start3A_634, %dma_start3A_635] : memref<256x128xf32, #tpu.memory_space<vmem_shared>> -> memref<256x128xf32, #tpu.memory_space<vmem_shared>>
      tpu.enqueue_indirect_dma source(%dma_start3A_636 : memref<256x128xf32, #tpu.memory_space<vmem_shared>>) target(%arg7 : memref<64x128xf32, #tpu.memory_space<vmem>>) offsets(%dma_start3A_633 : memref<64xi32, #tpu.memory_space<vmem>>) semaphore(%arg15 : memref<!tpu.dma_semaphore, #tpu.memory_space<semaphore_mem>>)
      %dma_wait3A_637 = arith.constant 0 : i32
      %dma_wait3A_638 = tpu.memref_slice %arg5[%add3A_619, %dma_wait3A_637] : memref<400x64xi32, #tpu.memory_space<vmem>> -> memref<1x64xi32, #tpu.memory_space<vmem>>
      %dma_wait3A_639 = tpu.memref_squeeze %dma_wait3A_638 : memref<1x64xi32, #tpu.memory_space<vmem>> -> memref<64xi32, #tpu.memory_space<vmem>>
      %dma_wait3A_640 = arith.constant 0 : i32
      %dma_wait3A_641 = arith.constant 0 : i32
      %dma_wait3A_642 = tpu.memref_slice %arg6[%dma_wait3A_640, %dma_wait3A_641] : memref<256x128xf32, #tpu.memory_space<vmem_shared>> -> memref<256x128xf32, #tpu.memory_space<vmem_shared>>
      tpu.wait_indirect_dma semaphore(%arg19 : memref<!tpu.dma_semaphore, #tpu.memory_space<semaphore_mem>>) src(%dma_wait3A_642 : memref<256x128xf32, #tpu.memory_space<vmem_shared>>) dst(%arg11 : memref<64x128xf32, #tpu.memory_space<vmem>>)
      %add3A_643 = arith.addi %mul3A_2, %add3A_619 : i32
      %mul3A_644 = arith.constant 64 : i32
      %mul3A_645 = arith.muli %add3A_643, %mul3A_644 : i32
      %dma_start3A_646 = arith.constant 0 : i32
      %dma_start3A_647 = tpu.memref_slice %arg4[%mul3A_645, %dma_start3A_646] : memref<819200x128xf32, #tpu.memory_space<hbm>> -> memref<64x128xf32, #tpu.memory_space<hbm>>
      %dma_start3A_648 = arith.constant 0 : i32
      %dma_start3A_649 = tpu.memref_slice %arg4[%mul3A_645, %dma_start3A_648] : memref<819200x128xf32, #tpu.memory_space<hbm>> -> memref<64x128xf32, #tpu.memory_space<hbm>>
      tpu.enqueue_dma source(%arg11 : memref<64x128xf32, #tpu.memory_space<vmem>>) target(%dma_start3A_649 : memref<64x128xf32, #tpu.memory_space<hbm>>) target_semaphore(%arg27 : memref<!tpu.dma_semaphore, #tpu.memory_space<semaphore_mem>>)
      %add3A_650 = arith.constant 5 : i32
      %add3A_651 = arith.addi %mul3A_490, %add3A_650 : i32
      %add3A_652 = arith.constant 4 : i32
      %add3A_653 = arith.addi %add3A_651, %add3A_652 : i32
      %sub3A_654 = arith.constant 8 : i32
      %sub3A_655 = arith.subi %add3A_653, %sub3A_654 : i32
      %add3A_656 = arith.addi %mul3A_2, %sub3A_655 : i32
      %mul3A_657 = arith.constant 64 : i32
      %mul3A_658 = arith.muli %add3A_656, %mul3A_657 : i32
      %dma_wait3A_659 = arith.constant 0 : i32
      %dma_wait3A_660 = tpu.memref_slice %arg4[%mul3A_658, %dma_wait3A_659] : memref<819200x128xf32, #tpu.memory_space<hbm>> -> memref<64x128xf32, #tpu.memory_space<hbm>>
      %dma_wait3A_661 = arith.constant 0 : i32
      %dma_wait3A_662 = tpu.memref_slice %arg4[%mul3A_658, %dma_wait3A_661] : memref<819200x128xf32, #tpu.memory_space<hbm>> -> memref<64x128xf32, #tpu.memory_space<hbm>>
      tpu.wait_dma2 semaphore(%arg24 : memref<!tpu.dma_semaphore, #tpu.memory_space<semaphore_mem>>) src(%arg8 : memref<64x128xf32, #tpu.memory_space<vmem>>) dst(%dma_wait3A_662 : memref<64x128xf32, #tpu.memory_space<hbm>>)
      %dma_start3A_663 = arith.constant 0 : i32
      %dma_start3A_664 = tpu.memref_slice %arg5[%add3A_653, %dma_start3A_663] : memref<400x64xi32, #tpu.memory_space<vmem>> -> memref<1x64xi32, #tpu.memory_space<vmem>>
      %dma_start3A_665 = tpu.memref_squeeze %dma_start3A_664 : memref<1x64xi32, #tpu.memory_space<vmem>> -> memref<64xi32, #tpu.memory_space<vmem>>
      %dma_start3A_666 = arith.constant 0 : i32
      %dma_start3A_667 = arith.constant 0 : i32
      %dma_start3A_668 = tpu.memref_slice %arg6[%dma_start3A_666, %dma_start3A_667] : memref<256x128xf32, #tpu.memory_space<vmem_shared>> -> memref<256x128xf32, #tpu.memory_space<vmem_shared>>
      tpu.enqueue_indirect_dma source(%dma_start3A_668 : memref<256x128xf32, #tpu.memory_space<vmem_shared>>) target(%arg8 : memref<64x128xf32, #tpu.memory_space<vmem>>) offsets(%dma_start3A_665 : memref<64xi32, #tpu.memory_space<vmem>>) semaphore(%arg16 : memref<!tpu.dma_semaphore, #tpu.memory_space<semaphore_mem>>)
      %dma_wait3A_669 = arith.constant 0 : i32
      %dma_wait3A_670 = tpu.memref_slice %arg5[%add3A_651, %dma_wait3A_669] : memref<400x64xi32, #tpu.memory_space<vmem>> -> memref<1x64xi32, #tpu.memory_space<vmem>>
      %dma_wait3A_671 = tpu.memref_squeeze %dma_wait3A_670 : memref<1x64xi32, #tpu.memory_space<vmem>> -> memref<64xi32, #tpu.memory_space<vmem>>
      %dma_wait3A_672 = arith.constant 0 : i32
      %dma_wait3A_673 = arith.constant 0 : i32
      %dma_wait3A_674 = tpu.memref_slice %arg6[%dma_wait3A_672, %dma_wait3A_673] : memref<256x128xf32, #tpu.memory_space<vmem_shared>> -> memref<256x128xf32, #tpu.memory_space<vmem_shared>>
      tpu.wait_indirect_dma semaphore(%arg20 : memref<!tpu.dma_semaphore, #tpu.memory_space<semaphore_mem>>) src(%dma_wait3A_674 : memref<256x128xf32, #tpu.memory_space<vmem_shared>>) dst(%arg12 : memref<64x128xf32, #tpu.memory_space<vmem>>)
      %add3A_675 = arith.addi %mul3A_2, %add3A_651 : i32
      %mul3A_676 = arith.constant 64 : i32
      %mul3A_677 = arith.muli %add3A_675, %mul3A_676 : i32
      %dma_start3A_678 = arith.constant 0 : i32
      %dma_start3A_679 = tpu.memref_slice %arg4[%mul3A_677, %dma_start3A_678] : memref<819200x128xf32, #tpu.memory_space<hbm>> -> memref<64x128xf32, #tpu.memory_space<hbm>>
      %dma_start3A_680 = arith.constant 0 : i32
      %dma_start3A_681 = tpu.memref_slice %arg4[%mul3A_677, %dma_start3A_680] : memref<819200x128xf32, #tpu.memory_space<hbm>> -> memref<64x128xf32, #tpu.memory_space<hbm>>
      tpu.enqueue_dma source(%arg12 : memref<64x128xf32, #tpu.memory_space<vmem>>) target(%dma_start3A_681 : memref<64x128xf32, #tpu.memory_space<hbm>>) target_semaphore(%arg28 : memref<!tpu.dma_semaphore, #tpu.memory_space<semaphore_mem>>)
      %add3A_682 = arith.constant 6 : i32
      %add3A_683 = arith.addi %mul3A_490, %add3A_682 : i32
      %add3A_684 = arith.constant 4 : i32
      %add3A_685 = arith.addi %add3A_683, %add3A_684 : i32
      %sub3A_686 = arith.constant 8 : i32
      %sub3A_687 = arith.subi %add3A_685, %sub3A_686 : i32
      %add3A_688 = arith.addi %mul3A_2, %sub3A_687 : i32
      %mul3A_689 = arith.constant 64 : i32
      %mul3A_690 = arith.muli %add3A_688, %mul3A_689 : i32
      %dma_wait3A_691 = arith.constant 0 : i32
      %dma_wait3A_692 = tpu.memref_slice %arg4[%mul3A_690, %dma_wait3A_691] : memref<819200x128xf32, #tpu.memory_space<hbm>> -> memref<64x128xf32, #tpu.memory_space<hbm>>
      %dma_wait3A_693 = arith.constant 0 : i32
      %dma_wait3A_694 = tpu.memref_slice %arg4[%mul3A_690, %dma_wait3A_693] : memref<819200x128xf32, #tpu.memory_space<hbm>> -> memref<64x128xf32, #tpu.memory_space<hbm>>
      tpu.wait_dma2 semaphore(%arg25 : memref<!tpu.dma_semaphore, #tpu.memory_space<semaphore_mem>>) src(%arg9 : memref<64x128xf32, #tpu.memory_space<vmem>>) dst(%dma_wait3A_694 : memref<64x128xf32, #tpu.memory_space<hbm>>)
      %dma_start3A_695 = arith.constant 0 : i32
      %dma_start3A_696 = tpu.memref_slice %arg5[%add3A_685, %dma_start3A_695] : memref<400x64xi32, #tpu.memory_space<vmem>> -> memref<1x64xi32, #tpu.memory_space<vmem>>
      %dma_start3A_697 = tpu.memref_squeeze %dma_start3A_696 : memref<1x64xi32, #tpu.memory_space<vmem>> -> memref<64xi32, #tpu.memory_space<vmem>>
      %dma_start3A_698 = arith.constant 0 : i32
      %dma_start3A_699 = arith.constant 0 : i32
      %dma_start3A_700 = tpu.memref_slice %arg6[%dma_start3A_698, %dma_start3A_699] : memref<256x128xf32, #tpu.memory_space<vmem_shared>> -> memref<256x128xf32, #tpu.memory_space<vmem_shared>>
      tpu.enqueue_indirect_dma source(%dma_start3A_700 : memref<256x128xf32, #tpu.memory_space<vmem_shared>>) target(%arg9 : memref<64x128xf32, #tpu.memory_space<vmem>>) offsets(%dma_start3A_697 : memref<64xi32, #tpu.memory_space<vmem>>) semaphore(%arg17 : memref<!tpu.dma_semaphore, #tpu.memory_space<semaphore_mem>>)
      %dma_wait3A_701 = arith.constant 0 : i32
      %dma_wait3A_702 = tpu.memref_slice %arg5[%add3A_683, %dma_wait3A_701] : memref<400x64xi32, #tpu.memory_space<vmem>> -> memref<1x64xi32, #tpu.memory_space<vmem>>
      %dma_wait3A_703 = tpu.memref_squeeze %dma_wait3A_702 : memref<1x64xi32, #tpu.memory_space<vmem>> -> memref<64xi32, #tpu.memory_space<vmem>>
      %dma_wait3A_704 = arith.constant 0 : i32
      %dma_wait3A_705 = arith.constant 0 : i32
      %dma_wait3A_706 = tpu.memref_slice %arg6[%dma_wait3A_704, %dma_wait3A_705] : memref<256x128xf32, #tpu.memory_space<vmem_shared>> -> memref<256x128xf32, #tpu.memory_space<vmem_shared>>
      tpu.wait_indirect_dma semaphore(%arg21 : memref<!tpu.dma_semaphore, #tpu.memory_space<semaphore_mem>>) src(%dma_wait3A_706 : memref<256x128xf32, #tpu.memory_space<vmem_shared>>) dst(%arg13 : memref<64x128xf32, #tpu.memory_space<vmem>>)
      %add3A_707 = arith.addi %mul3A_2, %add3A_683 : i32
      %mul3A_708 = arith.constant 64 : i32
      %mul3A_709 = arith.muli %add3A_707, %mul3A_708 : i32
      %dma_start3A_710 = arith.constant 0 : i32
      %dma_start3A_711 = tpu.memref_slice %arg4[%mul3A_709, %dma_start3A_710] : memref<819200x128xf32, #tpu.memory_space<hbm>> -> memref<64x128xf32, #tpu.memory_space<hbm>>
      %dma_start3A_712 = arith.constant 0 : i32
      %dma_start3A_713 = tpu.memref_slice %arg4[%mul3A_709, %dma_start3A_712] : memref<819200x128xf32, #tpu.memory_space<hbm>> -> memref<64x128xf32, #tpu.memory_space<hbm>>
      tpu.enqueue_dma source(%arg13 : memref<64x128xf32, #tpu.memory_space<vmem>>) target(%dma_start3A_713 : memref<64x128xf32, #tpu.memory_space<hbm>>) target_semaphore(%arg29 : memref<!tpu.dma_semaphore, #tpu.memory_space<semaphore_mem>>)
      %add3A_714 = arith.constant 7 : i32
      %add3A_715 = arith.addi %mul3A_490, %add3A_714 : i32
      %add3A_716 = arith.constant 4 : i32
      %add3A_717 = arith.addi %add3A_715, %add3A_716 : i32
      %sub3A_718 = arith.constant 8 : i32
      %sub3A_719 = arith.subi %add3A_717, %sub3A_718 : i32
      %add3A_720 = arith.addi %mul3A_2, %sub3A_719 : i32
      %mul3A_721 = arith.constant 64 : i32
      %mul3A_722 = arith.muli %add3A_720, %mul3A_721 : i32
      %dma_wait3A_723 = arith.constant 0 : i32
      %dma_wait3A_724 = tpu.memref_slice %arg4[%mul3A_722, %dma_wait3A_723] : memref<819200x128xf32, #tpu.memory_space<hbm>> -> memref<64x128xf32, #tpu.memory_space<hbm>>
      %dma_wait3A_725 = arith.constant 0 : i32
      %dma_wait3A_726 = tpu.memref_slice %arg4[%mul3A_722, %dma_wait3A_725] : memref<819200x128xf32, #tpu.memory_space<hbm>> -> memref<64x128xf32, #tpu.memory_space<hbm>>
      tpu.wait_dma2 semaphore(%arg26 : memref<!tpu.dma_semaphore, #tpu.memory_space<semaphore_mem>>) src(%arg10 : memref<64x128xf32, #tpu.memory_space<vmem>>) dst(%dma_wait3A_726 : memref<64x128xf32, #tpu.memory_space<hbm>>)
      %dma_start3A_727 = arith.constant 0 : i32
      %dma_start3A_728 = tpu.memref_slice %arg5[%add3A_717, %dma_start3A_727] : memref<400x64xi32, #tpu.memory_space<vmem>> -> memref<1x64xi32, #tpu.memory_space<vmem>>
      %dma_start3A_729 = tpu.memref_squeeze %dma_start3A_728 : memref<1x64xi32, #tpu.memory_space<vmem>> -> memref<64xi32, #tpu.memory_space<vmem>>
      %dma_start3A_730 = arith.constant 0 : i32
      %dma_start3A_731 = arith.constant 0 : i32
      %dma_start3A_732 = tpu.memref_slice %arg6[%dma_start3A_730, %dma_start3A_731] : memref<256x128xf32, #tpu.memory_space<vmem_shared>> -> memref<256x128xf32, #tpu.memory_space<vmem_shared>>
      tpu.enqueue_indirect_dma source(%dma_start3A_732 : memref<256x128xf32, #tpu.memory_space<vmem_shared>>) target(%arg10 : memref<64x128xf32, #tpu.memory_space<vmem>>) offsets(%dma_start3A_729 : memref<64xi32, #tpu.memory_space<vmem>>) semaphore(%arg18 : memref<!tpu.dma_semaphore, #tpu.memory_space<semaphore_mem>>)
      %dma_wait3A_733 = arith.constant 0 : i32
      %dma_wait3A_734 = tpu.memref_slice %arg5[%add3A_715, %dma_wait3A_733] : memref<400x64xi32, #tpu.memory_space<vmem>> -> memref<1x64xi32, #tpu.memory_space<vmem>>
      %dma_wait3A_735 = tpu.memref_squeeze %dma_wait3A_734 : memref<1x64xi32, #tpu.memory_space<vmem>> -> memref<64xi32, #tpu.memory_space<vmem>>
      %dma_wait3A_736 = arith.constant 0 : i32
      %dma_wait3A_737 = arith.constant 0 : i32
      %dma_wait3A_738 = tpu.memref_slice %arg6[%dma_wait3A_736, %dma_wait3A_737] : memref<256x128xf32, #tpu.memory_space<vmem_shared>> -> memref<256x128xf32, #tpu.memory_space<vmem_shared>>
      tpu.wait_indirect_dma semaphore(%arg22 : memref<!tpu.dma_semaphore, #tpu.memory_space<semaphore_mem>>) src(%dma_wait3A_738 : memref<256x128xf32, #tpu.memory_space<vmem_shared>>) dst(%arg14 : memref<64x128xf32, #tpu.memory_space<vmem>>)
      %add3A_739 = arith.addi %mul3A_2, %add3A_715 : i32
      %mul3A_740 = arith.constant 64 : i32
      %mul3A_741 = arith.muli %add3A_739, %mul3A_740 : i32
      %dma_start3A_742 = arith.constant 0 : i32
      %dma_start3A_743 = tpu.memref_slice %arg4[%mul3A_741, %dma_start3A_742] : memref<819200x128xf32, #tpu.memory_space<hbm>> -> memref<64x128xf32, #tpu.memory_space<hbm>>
      %dma_start3A_744 = arith.constant 0 : i32
      %dma_start3A_745 = tpu.memref_slice %arg4[%mul3A_741, %dma_start3A_744] : memref<819200x128xf32, #tpu.memory_space<hbm>> -> memref<64x128xf32, #tpu.memory_space<hbm>>
      tpu.enqueue_dma source(%arg14 : memref<64x128xf32, #tpu.memory_space<vmem>>) target(%dma_start3A_745 : memref<64x128xf32, #tpu.memory_space<hbm>>) target_semaphore(%arg30 : memref<!tpu.dma_semaphore, #tpu.memory_space<semaphore_mem>>)
    }
    %scan3A_243 = arith.constant 48 : i32
    %add3A_244 = arith.constant 388 : i32
    %add3A_245 = arith.addi %mul3A_2, %add3A_244 : i32
    %mul3A_246 = arith.constant 64 : i32
    %mul3A_247 = arith.muli %add3A_245, %mul3A_246 : i32
    %dma_wait3A_248 = arith.constant 0 : i32
    %dma_wait3A_249 = tpu.memref_slice %arg4[%mul3A_247, %dma_wait3A_248] : memref<819200x128xf32, #tpu.memory_space<hbm>> -> memref<64x128xf32, #tpu.memory_space<hbm>>
    %dma_wait3A_250 = arith.constant 0 : i32
    %dma_wait3A_251 = tpu.memref_slice %arg4[%mul3A_247, %dma_wait3A_250] : memref<819200x128xf32, #tpu.memory_space<hbm>> -> memref<64x128xf32, #tpu.memory_space<hbm>>
    tpu.wait_dma2 semaphore(%arg27 : memref<!tpu.dma_semaphore, #tpu.memory_space<semaphore_mem>>) src(%arg11 : memref<64x128xf32, #tpu.memory_space<vmem>>) dst(%dma_wait3A_251 : memref<64x128xf32, #tpu.memory_space<hbm>>)
    %dma_start3A_252 = arith.constant 396 : i32
    %dma_start3A_253 = arith.constant 0 : i32
    %dma_start3A_254 = tpu.memref_slice %arg5[%dma_start3A_252, %dma_start3A_253] : memref<400x64xi32, #tpu.memory_space<vmem>> -> memref<1x64xi32, #tpu.memory_space<vmem>>
    %dma_start3A_255 = tpu.memref_squeeze %dma_start3A_254 : memref<1x64xi32, #tpu.memory_space<vmem>> -> memref<64xi32, #tpu.memory_space<vmem>>
    %dma_start3A_256 = arith.constant 0 : i32
    %dma_start3A_257 = arith.constant 0 : i32
    %dma_start3A_258 = tpu.memref_slice %arg6[%dma_start3A_256, %dma_start3A_257] : memref<256x128xf32, #tpu.memory_space<vmem_shared>> -> memref<256x128xf32, #tpu.memory_space<vmem_shared>>
    tpu.enqueue_indirect_dma source(%dma_start3A_258 : memref<256x128xf32, #tpu.memory_space<vmem_shared>>) target(%arg11 : memref<64x128xf32, #tpu.memory_space<vmem>>) offsets(%dma_start3A_255 : memref<64xi32, #tpu.memory_space<vmem>>) semaphore(%arg19 : memref<!tpu.dma_semaphore, #tpu.memory_space<semaphore_mem>>)
    %dma_wait3A_259 = arith.constant 392 : i32
    %dma_wait3A_260 = arith.constant 0 : i32
    %dma_wait3A_261 = tpu.memref_slice %arg5[%dma_wait3A_259, %dma_wait3A_260] : memref<400x64xi32, #tpu.memory_space<vmem>> -> memref<1x64xi32, #tpu.memory_space<vmem>>
    %dma_wait3A_262 = tpu.memref_squeeze %dma_wait3A_261 : memref<1x64xi32, #tpu.memory_space<vmem>> -> memref<64xi32, #tpu.memory_space<vmem>>
    %dma_wait3A_263 = arith.constant 0 : i32
    %dma_wait3A_264 = arith.constant 0 : i32
    %dma_wait3A_265 = tpu.memref_slice %arg6[%dma_wait3A_263, %dma_wait3A_264] : memref<256x128xf32, #tpu.memory_space<vmem_shared>> -> memref<256x128xf32, #tpu.memory_space<vmem_shared>>
    tpu.wait_indirect_dma semaphore(%arg15 : memref<!tpu.dma_semaphore, #tpu.memory_space<semaphore_mem>>) src(%dma_wait3A_265 : memref<256x128xf32, #tpu.memory_space<vmem_shared>>) dst(%arg7 : memref<64x128xf32, #tpu.memory_space<vmem>>)
    %add3A_266 = arith.constant 392 : i32
    %add3A_267 = arith.addi %mul3A_2, %add3A_266 : i32
    %mul3A_268 = arith.constant 64 : i32
    %mul3A_269 = arith.muli %add3A_267, %mul3A_268 : i32
    %dma_start3A_270 = arith.constant 0 : i32
    %dma_start3A_271 = tpu.memref_slice %arg4[%mul3A_269, %dma_start3A_270] : memref<819200x128xf32, #tpu.memory_space<hbm>> -> memref<64x128xf32, #tpu.memory_space<hbm>>
    %dma_start3A_272 = arith.constant 0 : i32
    %dma_start3A_273 = tpu.memref_slice %arg4[%mul3A_269, %dma_start3A_272] : memref<819200x128xf32, #tpu.memory_space<hbm>> -> memref<64x128xf32, #tpu.memory_space<hbm>>
    tpu.enqueue_dma source(%arg7 : memref<64x128xf32, #tpu.memory_space<vmem>>) target(%dma_start3A_273 : memref<64x128xf32, #tpu.memory_space<hbm>>) target_semaphore(%arg23 : memref<!tpu.dma_semaphore, #tpu.memory_space<semaphore_mem>>)
    %add3A_274 = arith.constant 389 : i32
    %add3A_275 = arith.addi %mul3A_2, %add3A_274 : i32
    %mul3A_276 = arith.constant 64 : i32
    %mul3A_277 = arith.muli %add3A_275, %mul3A_276 : i32
    %dma_wait3A_278 = arith.constant 0 : i32
    %dma_wait3A_279 = tpu.memref_slice %arg4[%mul3A_277, %dma_wait3A_278] : memref<819200x128xf32, #tpu.memory_space<hbm>> -> memref<64x128xf32, #tpu.memory_space<hbm>>
    %dma_wait3A_280 = arith.constant 0 : i32
    %dma_wait3A_281 = tpu.memref_slice %arg4[%mul3A_277, %dma_wait3A_280] : memref<819200x128xf32, #tpu.memory_space<hbm>> -> memref<64x128xf32, #tpu.memory_space<hbm>>
    tpu.wait_dma2 semaphore(%arg28 : memref<!tpu.dma_semaphore, #tpu.memory_space<semaphore_mem>>) src(%arg12 : memref<64x128xf32, #tpu.memory_space<vmem>>) dst(%dma_wait3A_281 : memref<64x128xf32, #tpu.memory_space<hbm>>)
    %dma_start3A_282 = arith.constant 397 : i32
    %dma_start3A_283 = arith.constant 0 : i32
    %dma_start3A_284 = tpu.memref_slice %arg5[%dma_start3A_282, %dma_start3A_283] : memref<400x64xi32, #tpu.memory_space<vmem>> -> memref<1x64xi32, #tpu.memory_space<vmem>>
    %dma_start3A_285 = tpu.memref_squeeze %dma_start3A_284 : memref<1x64xi32, #tpu.memory_space<vmem>> -> memref<64xi32, #tpu.memory_space<vmem>>
    %dma_start3A_286 = arith.constant 0 : i32
    %dma_start3A_287 = arith.constant 0 : i32
    %dma_start3A_288 = tpu.memref_slice %arg6[%dma_start3A_286, %dma_start3A_287] : memref<256x128xf32, #tpu.memory_space<vmem_shared>> -> memref<256x128xf32, #tpu.memory_space<vmem_shared>>
    tpu.enqueue_indirect_dma source(%dma_start3A_288 : memref<256x128xf32, #tpu.memory_space<vmem_shared>>) target(%arg12 : memref<64x128xf32, #tpu.memory_space<vmem>>) offsets(%dma_start3A_285 : memref<64xi32, #tpu.memory_space<vmem>>) semaphore(%arg20 : memref<!tpu.dma_semaphore, #tpu.memory_space<semaphore_mem>>)
    %dma_wait3A_289 = arith.constant 393 : i32
    %dma_wait3A_290 = arith.constant 0 : i32
    %dma_wait3A_291 = tpu.memref_slice %arg5[%dma_wait3A_289, %dma_wait3A_290] : memref<400x64xi32, #tpu.memory_space<vmem>> -> memref<1x64xi32, #tpu.memory_space<vmem>>
    %dma_wait3A_292 = tpu.memref_squeeze %dma_wait3A_291 : memref<1x64xi32, #tpu.memory_space<vmem>> -> memref<64xi32, #tpu.memory_space<vmem>>
    %dma_wait3A_293 = arith.constant 0 : i32
    %dma_wait3A_294 = arith.constant 0 : i32
    %dma_wait3A_295 = tpu.memref_slice %arg6[%dma_wait3A_293, %dma_wait3A_294] : memref<256x128xf32, #tpu.memory_space<vmem_shared>> -> memref<256x128xf32, #tpu.memory_space<vmem_shared>>
    tpu.wait_indirect_dma semaphore(%arg16 : memref<!tpu.dma_semaphore, #tpu.memory_space<semaphore_mem>>) src(%dma_wait3A_295 : memref<256x128xf32, #tpu.memory_space<vmem_shared>>) dst(%arg8 : memref<64x128xf32, #tpu.memory_space<vmem>>)
    %add3A_296 = arith.constant 393 : i32
    %add3A_297 = arith.addi %mul3A_2, %add3A_296 : i32
    %mul3A_298 = arith.constant 64 : i32
    %mul3A_299 = arith.muli %add3A_297, %mul3A_298 : i32
    %dma_start3A_300 = arith.constant 0 : i32
    %dma_start3A_301 = tpu.memref_slice %arg4[%mul3A_299, %dma_start3A_300] : memref<819200x128xf32, #tpu.memory_space<hbm>> -> memref<64x128xf32, #tpu.memory_space<hbm>>
    %dma_start3A_302 = arith.constant 0 : i32
    %dma_start3A_303 = tpu.memref_slice %arg4[%mul3A_299, %dma_start3A_302] : memref<819200x128xf32, #tpu.memory_space<hbm>> -> memref<64x128xf32, #tpu.memory_space<hbm>>
    tpu.enqueue_dma source(%arg8 : memref<64x128xf32, #tpu.memory_space<vmem>>) target(%dma_start3A_303 : memref<64x128xf32, #tpu.memory_space<hbm>>) target_semaphore(%arg24 : memref<!tpu.dma_semaphore, #tpu.memory_space<semaphore_mem>>)
    %add3A_304 = arith.constant 390 : i32
    %add3A_305 = arith.addi %mul3A_2, %add3A_304 : i32
    %mul3A_306 = arith.constant 64 : i32
    %mul3A_307 = arith.muli %add3A_305, %mul3A_306 : i32
    %dma_wait3A_308 = arith.constant 0 : i32
    %dma_wait3A_309 = tpu.memref_slice %arg4[%mul3A_307, %dma_wait3A_308] : memref<819200x128xf32, #tpu.memory_space<hbm>> -> memref<64x128xf32, #tpu.memory_space<hbm>>
    %dma_wait3A_310 = arith.constant 0 : i32
    %dma_wait3A_311 = tpu.memref_slice %arg4[%mul3A_307, %dma_wait3A_310] : memref<819200x128xf32, #tpu.memory_space<hbm>> -> memref<64x128xf32, #tpu.memory_space<hbm>>
    tpu.wait_dma2 semaphore(%arg29 : memref<!tpu.dma_semaphore, #tpu.memory_space<semaphore_mem>>) src(%arg13 : memref<64x128xf32, #tpu.memory_space<vmem>>) dst(%dma_wait3A_311 : memref<64x128xf32, #tpu.memory_space<hbm>>)
    %dma_start3A_312 = arith.constant 398 : i32
    %dma_start3A_313 = arith.constant 0 : i32
    %dma_start3A_314 = tpu.memref_slice %arg5[%dma_start3A_312, %dma_start3A_313] : memref<400x64xi32, #tpu.memory_space<vmem>> -> memref<1x64xi32, #tpu.memory_space<vmem>>
    %dma_start3A_315 = tpu.memref_squeeze %dma_start3A_314 : memref<1x64xi32, #tpu.memory_space<vmem>> -> memref<64xi32, #tpu.memory_space<vmem>>
    %dma_start3A_316 = arith.constant 0 : i32
    %dma_start3A_317 = arith.constant 0 : i32
    %dma_start3A_318 = tpu.memref_slice %arg6[%dma_start3A_316, %dma_start3A_317] : memref<256x128xf32, #tpu.memory_space<vmem_shared>> -> memref<256x128xf32, #tpu.memory_space<vmem_shared>>
    tpu.enqueue_indirect_dma source(%dma_start3A_318 : memref<256x128xf32, #tpu.memory_space<vmem_shared>>) target(%arg13 : memref<64x128xf32, #tpu.memory_space<vmem>>) offsets(%dma_start3A_315 : memref<64xi32, #tpu.memory_space<vmem>>) semaphore(%arg21 : memref<!tpu.dma_semaphore, #tpu.memory_space<semaphore_mem>>)
    %dma_wait3A_319 = arith.constant 394 : i32
    %dma_wait3A_320 = arith.constant 0 : i32
    %dma_wait3A_321 = tpu.memref_slice %arg5[%dma_wait3A_319, %dma_wait3A_320] : memref<400x64xi32, #tpu.memory_space<vmem>> -> memref<1x64xi32, #tpu.memory_space<vmem>>
    %dma_wait3A_322 = tpu.memref_squeeze %dma_wait3A_321 : memref<1x64xi32, #tpu.memory_space<vmem>> -> memref<64xi32, #tpu.memory_space<vmem>>
    %dma_wait3A_323 = arith.constant 0 : i32
    %dma_wait3A_324 = arith.constant 0 : i32
    %dma_wait3A_325 = tpu.memref_slice %arg6[%dma_wait3A_323, %dma_wait3A_324] : memref<256x128xf32, #tpu.memory_space<vmem_shared>> -> memref<256x128xf32, #tpu.memory_space<vmem_shared>>
    tpu.wait_indirect_dma semaphore(%arg17 : memref<!tpu.dma_semaphore, #tpu.memory_space<semaphore_mem>>) src(%dma_wait3A_325 : memref<256x128xf32, #tpu.memory_space<vmem_shared>>) dst(%arg9 : memref<64x128xf32, #tpu.memory_space<vmem>>)
    %add3A_326 = arith.constant 394 : i32
    %add3A_327 = arith.addi %mul3A_2, %add3A_326 : i32
    %mul3A_328 = arith.constant 64 : i32
    %mul3A_329 = arith.muli %add3A_327, %mul3A_328 : i32
    %dma_start3A_330 = arith.constant 0 : i32
    %dma_start3A_331 = tpu.memref_slice %arg4[%mul3A_329, %dma_start3A_330] : memref<819200x128xf32, #tpu.memory_space<hbm>> -> memref<64x128xf32, #tpu.memory_space<hbm>>
    %dma_start3A_332 = arith.constant 0 : i32
    %dma_start3A_333 = tpu.memref_slice %arg4[%mul3A_329, %dma_start3A_332] : memref<819200x128xf32, #tpu.memory_space<hbm>> -> memref<64x128xf32, #tpu.memory_space<hbm>>
    tpu.enqueue_dma source(%arg9 : memref<64x128xf32, #tpu.memory_space<vmem>>) target(%dma_start3A_333 : memref<64x128xf32, #tpu.memory_space<hbm>>) target_semaphore(%arg25 : memref<!tpu.dma_semaphore, #tpu.memory_space<semaphore_mem>>)
    %add3A_334 = arith.constant 391 : i32
    %add3A_335 = arith.addi %mul3A_2, %add3A_334 : i32
    %mul3A_336 = arith.constant 64 : i32
    %mul3A_337 = arith.muli %add3A_335, %mul3A_336 : i32
    %dma_wait3A_338 = arith.constant 0 : i32
    %dma_wait3A_339 = tpu.memref_slice %arg4[%mul3A_337, %dma_wait3A_338] : memref<819200x128xf32, #tpu.memory_space<hbm>> -> memref<64x128xf32, #tpu.memory_space<hbm>>
    %dma_wait3A_340 = arith.constant 0 : i32
    %dma_wait3A_341 = tpu.memref_slice %arg4[%mul3A_337, %dma_wait3A_340] : memref<819200x128xf32, #tpu.memory_space<hbm>> -> memref<64x128xf32, #tpu.memory_space<hbm>>
    tpu.wait_dma2 semaphore(%arg30 : memref<!tpu.dma_semaphore, #tpu.memory_space<semaphore_mem>>) src(%arg14 : memref<64x128xf32, #tpu.memory_space<vmem>>) dst(%dma_wait3A_341 : memref<64x128xf32, #tpu.memory_space<hbm>>)
    %dma_start3A_342 = arith.constant 399 : i32
    %dma_start3A_343 = arith.constant 0 : i32
    %dma_start3A_344 = tpu.memref_slice %arg5[%dma_start3A_342, %dma_start3A_343] : memref<400x64xi32, #tpu.memory_space<vmem>> -> memref<1x64xi32, #tpu.memory_space<vmem>>
    %dma_start3A_345 = tpu.memref_squeeze %dma_start3A_344 : memref<1x64xi32, #tpu.memory_space<vmem>> -> memref<64xi32, #tpu.memory_space<vmem>>
    %dma_start3A_346 = arith.constant 0 : i32
    %dma_start3A_347 = arith.constant 0 : i32
    %dma_start3A_348 = tpu.memref_slice %arg6[%dma_start3A_346, %dma_start3A_347] : memref<256x128xf32, #tpu.memory_space<vmem_shared>> -> memref<256x128xf32, #tpu.memory_space<vmem_shared>>
    tpu.enqueue_indirect_dma source(%dma_start3A_348 : memref<256x128xf32, #tpu.memory_space<vmem_shared>>) target(%arg14 : memref<64x128xf32, #tpu.memory_space<vmem>>) offsets(%dma_start3A_345 : memref<64xi32, #tpu.memory_space<vmem>>) semaphore(%arg22 : memref<!tpu.dma_semaphore, #tpu.memory_space<semaphore_mem>>)
    %dma_wait3A_349 = arith.constant 395 : i32
    %dma_wait3A_350 = arith.constant 0 : i32
    %dma_wait3A_351 = tpu.memref_slice %arg5[%dma_wait3A_349, %dma_wait3A_350] : memref<400x64xi32, #tpu.memory_space<vmem>> -> memref<1x64xi32, #tpu.memory_space<vmem>>
    %dma_wait3A_352 = tpu.memref_squeeze %dma_wait3A_351 : memref<1x64xi32, #tpu.memory_space<vmem>> -> memref<64xi32, #tpu.memory_space<vmem>>
    %dma_wait3A_353 = arith.constant 0 : i32
    %dma_wait3A_354 = arith.constant 0 : i32
    %dma_wait3A_355 = tpu.memref_slice %arg6[%dma_wait3A_353, %dma_wait3A_354] : memref<256x128xf32, #tpu.memory_space<vmem_shared>> -> memref<256x128xf32, #tpu.memory_space<vmem_shared>>
    tpu.wait_indirect_dma semaphore(%arg18 : memref<!tpu.dma_semaphore, #tpu.memory_space<semaphore_mem>>) src(%dma_wait3A_355 : memref<256x128xf32, #tpu.memory_space<vmem_shared>>) dst(%arg10 : memref<64x128xf32, #tpu.memory_space<vmem>>)
    %add3A_356 = arith.constant 395 : i32
    %add3A_357 = arith.addi %mul3A_2, %add3A_356 : i32
    %mul3A_358 = arith.constant 64 : i32
    %mul3A_359 = arith.muli %add3A_357, %mul3A_358 : i32
    %dma_start3A_360 = arith.constant 0 : i32
    %dma_start3A_361 = tpu.memref_slice %arg4[%mul3A_359, %dma_start3A_360] : memref<819200x128xf32, #tpu.memory_space<hbm>> -> memref<64x128xf32, #tpu.memory_space<hbm>>
    %dma_start3A_362 = arith.constant 0 : i32
    %dma_start3A_363 = tpu.memref_slice %arg4[%mul3A_359, %dma_start3A_362] : memref<819200x128xf32, #tpu.memory_space<hbm>> -> memref<64x128xf32, #tpu.memory_space<hbm>>
    tpu.enqueue_dma source(%arg10 : memref<64x128xf32, #tpu.memory_space<vmem>>) target(%dma_start3A_363 : memref<64x128xf32, #tpu.memory_space<hbm>>) target_semaphore(%arg26 : memref<!tpu.dma_semaphore, #tpu.memory_space<semaphore_mem>>)
    %dma_wait3A_364 = arith.constant 396 : i32
    %dma_wait3A_365 = arith.constant 0 : i32
    %dma_wait3A_366 = tpu.memref_slice %arg5[%dma_wait3A_364, %dma_wait3A_365] : memref<400x64xi32, #tpu.memory_space<vmem>> -> memref<1x64xi32, #tpu.memory_space<vmem>>
    %dma_wait3A_367 = tpu.memref_squeeze %dma_wait3A_366 : memref<1x64xi32, #tpu.memory_space<vmem>> -> memref<64xi32, #tpu.memory_space<vmem>>
    %dma_wait3A_368 = arith.constant 0 : i32
    %dma_wait3A_369 = arith.constant 0 : i32
    %dma_wait3A_370 = tpu.memref_slice %arg6[%dma_wait3A_368, %dma_wait3A_369] : memref<256x128xf32, #tpu.memory_space<vmem_shared>> -> memref<256x128xf32, #tpu.memory_space<vmem_shared>>
    tpu.wait_indirect_dma semaphore(%arg19 : memref<!tpu.dma_semaphore, #tpu.memory_space<semaphore_mem>>) src(%dma_wait3A_370 : memref<256x128xf32, #tpu.memory_space<vmem_shared>>) dst(%arg11 : memref<64x128xf32, #tpu.memory_space<vmem>>)
    %add3A_371 = arith.constant 396 : i32
    %add3A_372 = arith.addi %mul3A_2, %add3A_371 : i32
    %mul3A_373 = arith.constant 64 : i32
    %mul3A_374 = arith.muli %add3A_372, %mul3A_373 : i32
    %dma_start3A_375 = arith.constant 0 : i32
    %dma_start3A_376 = tpu.memref_slice %arg4[%mul3A_374, %dma_start3A_375] : memref<819200x128xf32, #tpu.memory_space<hbm>> -> memref<64x128xf32, #tpu.memory_space<hbm>>
    %dma_start3A_377 = arith.constant 0 : i32
    %dma_start3A_378 = tpu.memref_slice %arg4[%mul3A_374, %dma_start3A_377] : memref<819200x128xf32, #tpu.memory_space<hbm>> -> memref<64x128xf32, #tpu.memory_space<hbm>>
    tpu.enqueue_dma source(%arg11 : memref<64x128xf32, #tpu.memory_space<vmem>>) target(%dma_start3A_378 : memref<64x128xf32, #tpu.memory_space<hbm>>) target_semaphore(%arg27 : memref<!tpu.dma_semaphore, #tpu.memory_space<semaphore_mem>>)
    %dma_wait3A_379 = arith.constant 397 : i32
    %dma_wait3A_380 = arith.constant 0 : i32
    %dma_wait3A_381 = tpu.memref_slice %arg5[%dma_wait3A_379, %dma_wait3A_380] : memref<400x64xi32, #tpu.memory_space<vmem>> -> memref<1x64xi32, #tpu.memory_space<vmem>>
    %dma_wait3A_382 = tpu.memref_squeeze %dma_wait3A_381 : memref<1x64xi32, #tpu.memory_space<vmem>> -> memref<64xi32, #tpu.memory_space<vmem>>
    %dma_wait3A_383 = arith.constant 0 : i32
    %dma_wait3A_384 = arith.constant 0 : i32
    %dma_wait3A_385 = tpu.memref_slice %arg6[%dma_wait3A_383, %dma_wait3A_384] : memref<256x128xf32, #tpu.memory_space<vmem_shared>> -> memref<256x128xf32, #tpu.memory_space<vmem_shared>>
    tpu.wait_indirect_dma semaphore(%arg20 : memref<!tpu.dma_semaphore, #tpu.memory_space<semaphore_mem>>) src(%dma_wait3A_385 : memref<256x128xf32, #tpu.memory_space<vmem_shared>>) dst(%arg12 : memref<64x128xf32, #tpu.memory_space<vmem>>)
    %add3A_386 = arith.constant 397 : i32
    %add3A_387 = arith.addi %mul3A_2, %add3A_386 : i32
    %mul3A_388 = arith.constant 64 : i32
    %mul3A_389 = arith.muli %add3A_387, %mul3A_388 : i32
    %dma_start3A_390 = arith.constant 0 : i32
    %dma_start3A_391 = tpu.memref_slice %arg4[%mul3A_389, %dma_start3A_390] : memref<819200x128xf32, #tpu.memory_space<hbm>> -> memref<64x128xf32, #tpu.memory_space<hbm>>
    %dma_start3A_392 = arith.constant 0 : i32
    %dma_start3A_393 = tpu.memref_slice %arg4[%mul3A_389, %dma_start3A_392] : memref<819200x128xf32, #tpu.memory_space<hbm>> -> memref<64x128xf32, #tpu.memory_space<hbm>>
    tpu.enqueue_dma source(%arg12 : memref<64x128xf32, #tpu.memory_space<vmem>>) target(%dma_start3A_393 : memref<64x128xf32, #tpu.memory_space<hbm>>) target_semaphore(%arg28 : memref<!tpu.dma_semaphore, #tpu.memory_space<semaphore_mem>>)
    %dma_wait3A_394 = arith.constant 398 : i32
    %dma_wait3A_395 = arith.constant 0 : i32
    %dma_wait3A_396 = tpu.memref_slice %arg5[%dma_wait3A_394, %dma_wait3A_395] : memref<400x64xi32, #tpu.memory_space<vmem>> -> memref<1x64xi32, #tpu.memory_space<vmem>>
    %dma_wait3A_397 = tpu.memref_squeeze %dma_wait3A_396 : memref<1x64xi32, #tpu.memory_space<vmem>> -> memref<64xi32, #tpu.memory_space<vmem>>
    %dma_wait3A_398 = arith.constant 0 : i32
    %dma_wait3A_399 = arith.constant 0 : i32
    %dma_wait3A_400 = tpu.memref_slice %arg6[%dma_wait3A_398, %dma_wait3A_399] : memref<256x128xf32, #tpu.memory_space<vmem_shared>> -> memref<256x128xf32, #tpu.memory_space<vmem_shared>>
    tpu.wait_indirect_dma semaphore(%arg21 : memref<!tpu.dma_semaphore, #tpu.memory_space<semaphore_mem>>) src(%dma_wait3A_400 : memref<256x128xf32, #tpu.memory_space<vmem_shared>>) dst(%arg13 : memref<64x128xf32, #tpu.memory_space<vmem>>)
    %add3A_401 = arith.constant 398 : i32
    %add3A_402 = arith.addi %mul3A_2, %add3A_401 : i32
    %mul3A_403 = arith.constant 64 : i32
    %mul3A_404 = arith.muli %add3A_402, %mul3A_403 : i32
    %dma_start3A_405 = arith.constant 0 : i32
    %dma_start3A_406 = tpu.memref_slice %arg4[%mul3A_404, %dma_start3A_405] : memref<819200x128xf32, #tpu.memory_space<hbm>> -> memref<64x128xf32, #tpu.memory_space<hbm>>
    %dma_start3A_407 = arith.constant 0 : i32
    %dma_start3A_408 = tpu.memref_slice %arg4[%mul3A_404, %dma_start3A_407] : memref<819200x128xf32, #tpu.memory_space<hbm>> -> memref<64x128xf32, #tpu.memory_space<hbm>>
    tpu.enqueue_dma source(%arg13 : memref<64x128xf32, #tpu.memory_space<vmem>>) target(%dma_start3A_408 : memref<64x128xf32, #tpu.memory_space<hbm>>) target_semaphore(%arg29 : memref<!tpu.dma_semaphore, #tpu.memory_space<semaphore_mem>>)
    %dma_wait3A_409 = arith.constant 399 : i32
    %dma_wait3A_410 = arith.constant 0 : i32
    %dma_wait3A_411 = tpu.memref_slice %arg5[%dma_wait3A_409, %dma_wait3A_410] : memref<400x64xi32, #tpu.memory_space<vmem>> -> memref<1x64xi32, #tpu.memory_space<vmem>>
    %dma_wait3A_412 = tpu.memref_squeeze %dma_wait3A_411 : memref<1x64xi32, #tpu.memory_space<vmem>> -> memref<64xi32, #tpu.memory_space<vmem>>
    %dma_wait3A_413 = arith.constant 0 : i32
    %dma_wait3A_414 = arith.constant 0 : i32
    %dma_wait3A_415 = tpu.memref_slice %arg6[%dma_wait3A_413, %dma_wait3A_414] : memref<256x128xf32, #tpu.memory_space<vmem_shared>> -> memref<256x128xf32, #tpu.memory_space<vmem_shared>>
    tpu.wait_indirect_dma semaphore(%arg22 : memref<!tpu.dma_semaphore, #tpu.memory_space<semaphore_mem>>) src(%dma_wait3A_415 : memref<256x128xf32, #tpu.memory_space<vmem_shared>>) dst(%arg14 : memref<64x128xf32, #tpu.memory_space<vmem>>)
    %add3A_416 = arith.constant 399 : i32
    %add3A_417 = arith.addi %mul3A_2, %add3A_416 : i32
    %mul3A_418 = arith.constant 64 : i32
    %mul3A_419 = arith.muli %add3A_417, %mul3A_418 : i32
    %dma_start3A_420 = arith.constant 0 : i32
    %dma_start3A_421 = tpu.memref_slice %arg4[%mul3A_419, %dma_start3A_420] : memref<819200x128xf32, #tpu.memory_space<hbm>> -> memref<64x128xf32, #tpu.memory_space<hbm>>
    %dma_start3A_422 = arith.constant 0 : i32
    %dma_start3A_423 = tpu.memref_slice %arg4[%mul3A_419, %dma_start3A_422] : memref<819200x128xf32, #tpu.memory_space<hbm>> -> memref<64x128xf32, #tpu.memory_space<hbm>>
    tpu.enqueue_dma source(%arg14 : memref<64x128xf32, #tpu.memory_space<vmem>>) target(%dma_start3A_423 : memref<64x128xf32, #tpu.memory_space<hbm>>) target_semaphore(%arg30 : memref<!tpu.dma_semaphore, #tpu.memory_space<semaphore_mem>>)
    %add3A_424 = arith.constant 392 : i32
    %add3A_425 = arith.addi %mul3A_2, %add3A_424 : i32
    %mul3A_426 = arith.constant 64 : i32
    %mul3A_427 = arith.muli %add3A_425, %mul3A_426 : i32
    %dma_wait3A_428 = arith.constant 0 : i32
    %dma_wait3A_429 = tpu.memref_slice %arg4[%mul3A_427, %dma_wait3A_428] : memref<819200x128xf32, #tpu.memory_space<hbm>> -> memref<64x128xf32, #tpu.memory_space<hbm>>
    %dma_wait3A_430 = arith.constant 0 : i32
    %dma_wait3A_431 = tpu.memref_slice %arg4[%mul3A_427, %dma_wait3A_430] : memref<819200x128xf32, #tpu.memory_space<hbm>> -> memref<64x128xf32, #tpu.memory_space<hbm>>
    tpu.wait_dma2 semaphore(%arg23 : memref<!tpu.dma_semaphore, #tpu.memory_space<semaphore_mem>>) src(%arg7 : memref<64x128xf32, #tpu.memory_space<vmem>>) dst(%dma_wait3A_431 : memref<64x128xf32, #tpu.memory_space<hbm>>)
    %add3A_432 = arith.constant 393 : i32
    %add3A_433 = arith.addi %mul3A_2, %add3A_432 : i32
    %mul3A_434 = arith.constant 64 : i32
    %mul3A_435 = arith.muli %add3A_433, %mul3A_434 : i32
    %dma_wait3A_436 = arith.constant 0 : i32
    %dma_wait3A_437 = tpu.memref_slice %arg4[%mul3A_435, %dma_wait3A_436] : memref<819200x128xf32, #tpu.memory_space<hbm>> -> memref<64x128xf32, #tpu.memory_space<hbm>>
    %dma_wait3A_438 = arith.constant 0 : i32
    %dma_wait3A_439 = tpu.memref_slice %arg4[%mul3A_435, %dma_wait3A_438] : memref<819200x128xf32, #tpu.memory_space<hbm>> -> memref<64x128xf32, #tpu.memory_space<hbm>>
    tpu.wait_dma2 semaphore(%arg24 : memref<!tpu.dma_semaphore, #tpu.memory_space<semaphore_mem>>) src(%arg8 : memref<64x128xf32, #tpu.memory_space<vmem>>) dst(%dma_wait3A_439 : memref<64x128xf32, #tpu.memory_space<hbm>>)
    %add3A_440 = arith.constant 394 : i32
    %add3A_441 = arith.addi %mul3A_2, %add3A_440 : i32
    %mul3A_442 = arith.constant 64 : i32
    %mul3A_443 = arith.muli %add3A_441, %mul3A_442 : i32
    %dma_wait3A_444 = arith.constant 0 : i32
    %dma_wait3A_445 = tpu.memref_slice %arg4[%mul3A_443, %dma_wait3A_444] : memref<819200x128xf32, #tpu.memory_space<hbm>> -> memref<64x128xf32, #tpu.memory_space<hbm>>
    %dma_wait3A_446 = arith.constant 0 : i32
    %dma_wait3A_447 = tpu.memref_slice %arg4[%mul3A_443, %dma_wait3A_446] : memref<819200x128xf32, #tpu.memory_space<hbm>> -> memref<64x128xf32, #tpu.memory_space<hbm>>
    tpu.wait_dma2 semaphore(%arg25 : memref<!tpu.dma_semaphore, #tpu.memory_space<semaphore_mem>>) src(%arg9 : memref<64x128xf32, #tpu.memory_space<vmem>>) dst(%dma_wait3A_447 : memref<64x128xf32, #tpu.memory_space<hbm>>)
    %add3A_448 = arith.constant 395 : i32
    %add3A_449 = arith.addi %mul3A_2, %add3A_448 : i32
    %mul3A_450 = arith.constant 64 : i32
    %mul3A_451 = arith.muli %add3A_449, %mul3A_450 : i32
    %dma_wait3A_452 = arith.constant 0 : i32
    %dma_wait3A_453 = tpu.memref_slice %arg4[%mul3A_451, %dma_wait3A_452] : memref<819200x128xf32, #tpu.memory_space<hbm>> -> memref<64x128xf32, #tpu.memory_space<hbm>>
    %dma_wait3A_454 = arith.constant 0 : i32
    %dma_wait3A_455 = tpu.memref_slice %arg4[%mul3A_451, %dma_wait3A_454] : memref<819200x128xf32, #tpu.memory_space<hbm>> -> memref<64x128xf32, #tpu.memory_space<hbm>>
    tpu.wait_dma2 semaphore(%arg26 : memref<!tpu.dma_semaphore, #tpu.memory_space<semaphore_mem>>) src(%arg10 : memref<64x128xf32, #tpu.memory_space<vmem>>) dst(%dma_wait3A_455 : memref<64x128xf32, #tpu.memory_space<hbm>>)
    %add3A_456 = arith.constant 396 : i32
    %add3A_457 = arith.addi %mul3A_2, %add3A_456 : i32
    %mul3A_458 = arith.constant 64 : i32
    %mul3A_459 = arith.muli %add3A_457, %mul3A_458 : i32
    %dma_wait3A_460 = arith.constant 0 : i32
    %dma_wait3A_461 = tpu.memref_slice %arg4[%mul3A_459, %dma_wait3A_460] : memref<819200x128xf32, #tpu.memory_space<hbm>> -> memref<64x128xf32, #tpu.memory_space<hbm>>
    %dma_wait3A_462 = arith.constant 0 : i32
    %dma_wait3A_463 = tpu.memref_slice %arg4[%mul3A_459, %dma_wait3A_462] : memref<819200x128xf32, #tpu.memory_space<hbm>> -> memref<64x128xf32, #tpu.memory_space<hbm>>
    tpu.wait_dma2 semaphore(%arg27 : memref<!tpu.dma_semaphore, #tpu.memory_space<semaphore_mem>>) src(%arg11 : memref<64x128xf32, #tpu.memory_space<vmem>>) dst(%dma_wait3A_463 : memref<64x128xf32, #tpu.memory_space<hbm>>)
    %add3A_464 = arith.constant 397 : i32
    %add3A_465 = arith.addi %mul3A_2, %add3A_464 : i32
    %mul3A_466 = arith.constant 64 : i32
    %mul3A_467 = arith.muli %add3A_465, %mul3A_466 : i32
    %dma_wait3A_468 = arith.constant 0 : i32
    %dma_wait3A_469 = tpu.memref_slice %arg4[%mul3A_467, %dma_wait3A_468] : memref<819200x128xf32, #tpu.memory_space<hbm>> -> memref<64x128xf32, #tpu.memory_space<hbm>>
    %dma_wait3A_470 = arith.constant 0 : i32
    %dma_wait3A_471 = tpu.memref_slice %arg4[%mul3A_467, %dma_wait3A_470] : memref<819200x128xf32, #tpu.memory_space<hbm>> -> memref<64x128xf32, #tpu.memory_space<hbm>>
    tpu.wait_dma2 semaphore(%arg28 : memref<!tpu.dma_semaphore, #tpu.memory_space<semaphore_mem>>) src(%arg12 : memref<64x128xf32, #tpu.memory_space<vmem>>) dst(%dma_wait3A_471 : memref<64x128xf32, #tpu.memory_space<hbm>>)
    %add3A_472 = arith.constant 398 : i32
    %add3A_473 = arith.addi %mul3A_2, %add3A_472 : i32
    %mul3A_474 = arith.constant 64 : i32
    %mul3A_475 = arith.muli %add3A_473, %mul3A_474 : i32
    %dma_wait3A_476 = arith.constant 0 : i32
    %dma_wait3A_477 = tpu.memref_slice %arg4[%mul3A_475, %dma_wait3A_476] : memref<819200x128xf32, #tpu.memory_space<hbm>> -> memref<64x128xf32, #tpu.memory_space<hbm>>
    %dma_wait3A_478 = arith.constant 0 : i32
    %dma_wait3A_479 = tpu.memref_slice %arg4[%mul3A_475, %dma_wait3A_478] : memref<819200x128xf32, #tpu.memory_space<hbm>> -> memref<64x128xf32, #tpu.memory_space<hbm>>
    tpu.wait_dma2 semaphore(%arg29 : memref<!tpu.dma_semaphore, #tpu.memory_space<semaphore_mem>>) src(%arg13 : memref<64x128xf32, #tpu.memory_space<vmem>>) dst(%dma_wait3A_479 : memref<64x128xf32, #tpu.memory_space<hbm>>)
    %add3A_480 = arith.constant 399 : i32
    %add3A_481 = arith.addi %mul3A_2, %add3A_480 : i32
    %mul3A_482 = arith.constant 64 : i32
    %mul3A_483 = arith.muli %add3A_481, %mul3A_482 : i32
    %dma_wait3A_484 = arith.constant 0 : i32
    %dma_wait3A_485 = tpu.memref_slice %arg4[%mul3A_483, %dma_wait3A_484] : memref<819200x128xf32, #tpu.memory_space<hbm>> -> memref<64x128xf32, #tpu.memory_space<hbm>>
    %dma_wait3A_486 = arith.constant 0 : i32
    %dma_wait3A_487 = tpu.memref_slice %arg4[%mul3A_483, %dma_wait3A_486] : memref<819200x128xf32, #tpu.memory_space<hbm>> -> memref<64x128xf32, #tpu.memory_space<hbm>>
    tpu.wait_dma2 semaphore(%arg30 : memref<!tpu.dma_semaphore, #tpu.memory_space<semaphore_mem>>) src(%arg14 : memref<64x128xf32, #tpu.memory_space<vmem>>) dst(%dma_wait3A_487 : memref<64x128xf32, #tpu.memory_space<hbm>>)
    return
  }
}

</mosaic_0001>

<sc_bundles>
// kernel: kernel.3.cloned.1.call-start
scs
__scs_entry_jumppad:
0x0: {  	(pc) =	sbr.rel $0x88, $3  }
0x1: {  	(tag) =	ssettag $0x0;
	lr =	simm.s32 $0x1  }
0x2: {  	[smem:$0x3F9F] =	sst lr;
	_ =	strace $0xD0000000  }
0x3: {  	_ = 	snop  }
0x4: {  	_ = 	snop  }
0x5: {  	_ = 	snop  }
0x6: {  	_ = 	snop  }
0x7: {  	_ = 	snop  }
__scs_overlays_trampoline_lowered:
0x8: {  	[smem:$0x3FAE] =	sst s0  }
0x9: {  	[smem:$0x3FAF] =	sst s1  }
0xa: {  	[smem:$0x3FB0] =	sst s2  }
0xb: {  	[smem:$0x3FB1] =	sst s3  }
0xc: {  	[smem:$0x3FB2] =	sst s4  }
0xd: {  	[smem:$0x3FB3] =	sst s5  }
0xe: {  	[smem:$0x3FB4] =	sst s6  }
0xf: {  	[smem:$0x3FB5] =	sst s7  }
0x10: {  	[smem:$0x3FB6] =	sst s8  }
0x11: {  	[smem:$0x3FB7] =	sst s9;
	s0 =	simm.s32 @!p0 $0x0  }
0x12: {  	s1 =	sld [smem:$0x3F9D];
	s0 =	simm.s32 @p0 $0x1  }
0x13: {  	[smem:$0x3FB8] =	sst s0;
	s0 =	simm.s32 @!p1 $0x0  }
0x14: {  	s2 =	sld [smem:$0x3F9C];
	s0 =	simm.s32 @p1 $0x1  }
0x15: {  	[smem:$0x3FB9] =	sst s0;
	s0 =	simm.s32 @!p2 $0x0  }
0x16: {  	s3 =	sld [smem:$0x3FDB];
	s0 =	simm.s32 @p2 $0x1  }
0x17: {  	s4 =	simm.s32 $0x1BF5;
	[smem:$0x3FBB] =	sst s0  }
0x18: {  	s0 =	sld [smem:$0x3F9E];
	_ =	swait.ge [sflag:s4], $0x0  }
0x19: {  	s7 =	sld [smem:$0x3F9F]  }
0x1a: {  	s8 =	sadd.s32 $0xFFFFE003, lr  }
0x1b: {  	s9 =	sadd.s32 $0xFFFFFEF7, lr;
	s5 =	simm.s32 $0xFFFFFFFF;
	p2 =	slt.u32 s8, $0xFFFFF086  }
0x1c: {  	p1 =	slt.u32 s9, $0xF7A;
	s5 =	simm.s32 @!p2 $0x0  }
0x1d: {  	s5 =	simm.s32 @p1 $0x1;
	p0 =	seq.s32 s7, s2  }
0x1e: {  	s7 =	smul.u32 @!p0 $0xF7A, s2;
	p2 =	seq.s32 @!p0 s5, $0x0  }
0x1f: {  	s9 =	smul.u32 $0xF7A, s1;
	s8 =	simm.s32 @!p0 $0x1BF5;
	p2 =	por !p2, p0  }
0x20: {  	[sflag:s8] =	ssyncset.s32 @!p0 $0xFFFFF086;
	s6 =	sadd.s32 @!p0 s3, s7;
	s7 =	simm.s32 @!p0 $0x108  }
0x21: {  	s3 =	sadd.s32 s3, s9;
	s6 =	sadd.s32 @!p0 $0x88, s6;
	s7 =	simm.s32 @p2 $0x1082  }
0x22: {  	[simem:s7], [sflag:s8] =	dma.local @!p0 [hbm:s6], $0xF7A  }
0x23: {  	s9 =	sor.u32 $0xD0000000, s2;
	s6 =	simm.s32 $0x108;
	_ =	swait.ge @!p0 [sflag:s8], $0x0  }
0x24: {  	s3 =	sadd.s32 $0x88, s3;
	s6 =	simm.s32 @!p1 $0x1082;
	[sflag:s4] =	ssyncset.s32 $0xFFFFF086  }
0x25: {  	[simem:s6], [sflag:s4] =	dma.local [hbm:s3], $0xF7A  }
0x26: {  	[smem:$0x3F9F] =	sst s1;
	(tag) =	ssettag s2;
	_ =	strace s9  }
0x27: {  	s1 =	sld [smem:$0x3FAF]  }
0x28: {  	s2 =	sld [smem:$0x3FB0]  }
0x29: {  	s4 =	sld [smem:$0x3FB2]  }
0x2a: {  	p0 =	seq.s32 s5, $0x0;
	s5 =	sld [smem:$0x3FB3]  }
0x2b: {  	s6 =	sld [smem:$0x3FB4]  }
0x2c: {  	s7 =	sld [smem:$0x3FB5]  }
0x2d: {  	s3 =	simm.s32 $0x108;
	s8 =	sld [smem:$0x3FB6]  }
0x2e: {  	s3 =	simm.s32 @!p0 $0x1082;
	s9 =	sld [smem:$0x3FB7]  }
0x2f: {  	lr =	sadd.s32 s0, s3;
	s0 =	sld [smem:$0x3FAE]  }
0x30: {  	s3 =	sld [smem:$0x3FB1]  }
0x31: {  	[smem:$0x3FBA] =	sst s10  }
0x32: {  	s10 =	sld [smem:$0x3FB8];
	_ =	sdelay $0x3  }
0x33: {  	p0 =	seq.s32 s10, $0x1;
	s10 =	sld [smem:$0x3FBA];
	_ =	sdelay $0x3  }
0x34: {  	[smem:$0x3FBA] =	sst s10  }
0x35: {  	s10 =	sld [smem:$0x3FB9];
	_ =	sdelay $0x3  }
0x36: {  	p1 =	seq.s32 s10, $0x1;
	s10 =	sld [smem:$0x3FBA];
	_ =	sdelay $0x3  }
0x37: {  	[smem:$0x3FBA] =	sst s10  }
0x38: {  	s10 =	sld [smem:$0x3FBB]  }
0x39: {  	_ = 	snop;
	(pc) =	sbr.ind lr, $3  }
0x3a: {  	_ = 	snop  }
0x3b: {  	_ = 	snop  }
0x3c: {  	p2 =	seq.s32 s10, $0x1;
	s10 =	sld [smem:$0x3FBA]  }
0x3d: {  	_ =	shalt  }
0x3e: {  	_ =	shalt  }
0x3f: {  	_ =	shalt  }
0x40: {  	_ =	shalt  }
0x41: {  	_ =	shalt  }
0x42: {  	_ =	shalt  }
0x43: {  	_ =	shalt  }
0x44: {  	_ =	shalt  }
0x45: {  	_ =	shalt  }
0x46: {  	_ =	shalt  }
0x47: {  	_ =	shalt  }
0x48: {  	_ =	shalt  }
0x49: {  	_ =	shalt  }
0x4a: {  	_ =	shalt  }
0x4b: {  	_ =	shalt  }
0x4c: {  	_ =	shalt  }
0x4d: {  	_ =	shalt  }
0x4e: {  	_ =	shalt  }
0x4f: {  	_ =	shalt  }
0x50: {  	_ =	shalt  }
0x51: {  	_ =	shalt  }
0x52: {  	_ =	shalt  }
0x53: {  	_ =	shalt  }
0x54: {  	_ =	shalt  }
0x55: {  	_ =	shalt  }
0x56: {  	_ =	shalt  }
0x57: {  	_ =	shalt  }
0x58: {  	_ =	shalt  }
0x59: {  	_ =	shalt  }
0x5a: {  	_ =	shalt  }
0x5b: {  	_ =	shalt  }
0x5c: {  	_ =	shalt  }
0x5d: {  	_ =	shalt  }
0x5e: {  	_ =	shalt  }
0x5f: {  	_ =	shalt  }
0x60: {  	_ =	shalt  }
0x61: {  	_ =	shalt  }
0x62: {  	_ =	shalt  }
0x63: {  	_ =	shalt  }
0x64: {  	_ =	shalt  }
0x65: {  	_ =	shalt  }
0x66: {  	_ =	shalt  }
0x67: {  	_ =	shalt  }
0x68: {  	_ =	shalt  }
0x69: {  	_ =	shalt  }
0x6a: {  	_ =	shalt  }
0x6b: {  	_ =	shalt  }
0x6c: {  	_ =	shalt  }
0x6d: {  	_ =	shalt  }
0x6e: {  	_ =	shalt  }
0x6f: {  	_ =	shalt  }
0x70: {  	_ =	shalt  }
0x71: {  	_ =	shalt  }
0x72: {  	_ =	shalt  }
0x73: {  	_ =	shalt  }
0x74: {  	_ =	shalt  }
0x75: {  	_ =	shalt  }
0x76: {  	_ =	shalt  }
0x77: {  	_ =	shalt  }
0x78: {  	_ =	shalt  }
0x79: {  	_ =	shalt  }
0x7a: {  	_ =	shalt  }
0x7b: {  	_ =	shalt  }
0x7c: {  	_ =	shalt  }
0x7d: {  	_ =	shalt  }
0x7e: {  	_ =	shalt  }
0x7f: {  	_ =	shalt  }
0x80: {  	_ =	shalt  }
0x81: {  	_ =	shalt  }
0x82: {  	_ =	shalt  }
0x83: {  	_ =	shalt  }
0x84: {  	_ =	shalt  }
0x85: {  	_ =	shalt  }
0x86: {  	_ =	shalt  }
0x87: {  	_ =	shalt  }
.Lfunc_end0:
.L_simem_size_0:
called_computation_lowered:
.L_overlay_start_0:
0x88: {  	s2 =	sld [smem:$0x3FD9]  }
0x89: {  	s3 =	sld [smem:$0x3FFE];
	_ =	sdelay $0x1  }
0x8a: {  	s1 =	srdreg.scid  }
0x8b: {  	s0 =	sand.u32 $0x1, s1  }
0x8c: {  	s17 =	sshll.u32 s0, $0xA;
	s2 =	sadd.s32 s3, s2  }
0x8d: {  	s2 =	sadd.s32 s2, s17  }
0x8e: {  	[smem:$0x3FC6] =	sst s2  }
0x8f: {  	_ = 	snop  }
0x90: {  	s2 =	sld [smem:$0x3FC8]  }
0x91: {  	s18 =	sld [smem:$0x3FD0];
	(tm) =	ssettm $0x1  }
0x92: {  	s4 =	sld [smem:$0x3FFB];
	_ =	sdelay $0x3  }
0x93: {  	_ =	strace s4  }
0x94: {  	s4 =	sld [smem:$0x3FFC];
	_ =	sdelay $0x3  }
0x95: {  	_ =	strace s4  }
0x96: {  	s4 =	sld [smem:$0x3FFD];
	_ =	sdelay $0x3  }
0x97: {  	_ =	strace s4  }
0x98: {  	_ =	strace $0x8FFFFFFF  }
0x99: {  	s19 =	sld [smem:$0x3FDB];
	_ =	sdelay $0x1  }
0x9a: {  	s5 =	simm.s32 $_scs_section_size  }
0x9b: {  	s6 =	simm.s32 $_size__tile_overlayer_lowered;
	s7 =	simm.s32 $_tile_overlayer_lowered  }
0x9c: {  	s22 =	simm.s32 $0x1BFF;
	s21 =	sshll.u32 s7, $0x1;
	s4 =	sadd.s32 s5, s19  }
0x9d: {  	s8 =	simm.s32 $0x0;
	s20 =	sshll.u32 s6, $0x1;
	s6 =	sadd.s32 s21, s4  }
0x9e: {  	[timem:s8], [sflag:s22] =	dma.local [hbm:s6], s20  }
0x9f: {  	_ =	swait.ge [sflag:s22], s20  }
0xa0: {  	s5 =	ssub.s32 $0x0, s20;
	[sflag:s22] =	ssyncset.done $0x0  }
0xa1: {  	[sflag:s22] =	ssyncadd.s32 s5;
	_ =	sdelay $0x1  }
0xa2: {  	s23 =	simm.s32 $0x1B8B  }
0xa3: {  	_ =	swait.ge [sflag:s23], $0x1  }
0xa4: {  	[sflag:s23] =	ssyncset.done $0x0  }
0xa5: {  	s25 =	simm.s32 $0x1B8E;
	s24 =	sld [smem:$0x3FFE];
	[sflag:s23] =	ssyncadd.s32 $0xFFFFFFFF  }
0xa6: {  	s26 =	simm.s32 $execute0_lowered;
	[smem:$0x3FD2] =	sst s25  }
0xa7: {  	s6 =	sshll.u32 s26, $0x1;
	_ =	strace $0x80000046;
	[dreg:$0x1] =	wrdreg $0xFFFFFFFF  }
0xa8: {  	s28 =	simm.s32 $_size_execute0_lowered;
	s4 =	sadd.s32 s4, s6;
	[dreg:$0x0] =	wrdreg $0x0  }
0xa9: {  	s6 =	sshll.u32 s28, $0x1;
	[dreg:$0x2] =	wrdreg s4  }
0xaa: {  	[dreg:$0x3] =	wrdreg s6  }
0xab: {  	[dreg:$0x4] =	wrdreg $0xC0  }
0xac: {  	_ =	task [dreg:s8], $0x5FFFF  }
0xad: {  	[dreg:$0x1] =	wrdreg $0xFFFFFFFF  }
0xae: {  	[dreg:$0x0] =	wrdreg $0x60  }
0xaf: {  	[dreg:$0x2] =	wrdreg s2  }
0xb0: {  	[dreg:$0x3] =	wrdreg s24  }
0xb1: {  	[dreg:$0x4] =	wrdreg s18  }
0xb2: {  	[dreg:$0x5] =	wrdreg $0xC8000  }
0xb3: {  	[dreg:$0x6] =	wrdreg $0x9  }
0xb4: {  	_ =	task.clear_ibuf [dreg:s8], $0x7FFFF;
	_ =	strace $0x90000046  }
0xb5: {  	s29 =	simm.s32 $0x9;
	_ =	strace $0x80000048  }
0xb6: {  	_ =	swait.ge [sflag:s29], $0x1  }
0xb7: {  	[sflag:s29] =	ssyncadd.s32 $0xFFFFFFFF  }
0xb8: {  	_ =	strace $0x90000048  }
0xb9: {  	_ =	sfence  }
0xba: {  	s30 =	sld [smem:$0x0];
	_ =	sdelay $0x2  }
0xbb: {  	s31 =	sshll.u32 s1, $0xD;
	s1 =	sshrl.u32 s1, $0x2  }
0xbc: {  	s3 =	sand.u32 $0x4000, s31;
	s1 =	sadd.s32 s1, s30  }
0xbd: {  	s0 =	sor.u32 s3, s0;
	s1 =	sshll.u32 s1, $0x11  }
0xbe: {  	s0 =	sor.u32 s1, s0  }
0xbf: {  	s0 =	sadd.s32 $0x8F2B, s0  }
0xc0: {  	[sflag:s0] =	ssyncadd.remote.s32 $0x1  }
0xc1: {  	_ =	sfence.sel $0xFFFF  }
0xc2: {  	[dreg:$0x0] =	wrdreg $0xFFFFFFFF;
	(pc) =	sbr.abs _section_cstart, $3  }
0xc3: {  	[dreg:$0x1] =	wrdreg $0xFFFFFFFF  }
0xc4: {  	_ =	task.clear_ibuf [dreg:s8], $0x2FFFF;
	_ =	strace $0x9FFFFFFF  }
0xc5: {  	(tm) =	ssettm $0x7FFFFFFF  }
tec
execute0_lowered:
.L_overlay_start_1:
0x0: {  	(tag) =	ssettag $0x1  }
0x1: {  	s0 =	rddreg [dreg:$0x1]  }
0x2: {  	s1 =	srdreg.scid;
	s2 =	stileid.u32  }
0x3: {  	s10 =	rddreg [dreg:$0x2];
	s1 =	sand.u32 $0x1, s1;
	s4 =	sshll.u32 s2, $0x1  }
0x4: {  	s3 =	rddreg [dreg:$0x3];
	s5 =	sor.u32 s1, s4  }
0x5: {  	s4 =	simm.s32 $0x0;
	s7 =	ssub.s32 $0x2, s1;
	s8 =	smul.u32 $0x64000, s5  }
0x6: {  	s6 =	smul.u32 $0x1900, s5;
	[smem:$0x7FF] =	sst s4;
	s9 =	sshrl.u32 s7, $0x1  }
0x7: {  	_ =	strace $0x80000047;
	s31 =	ssub.s32 s7, s9;
	s9 =	sadd.s32 s10, s8  }
0x8: {  	s0 =	sadd.s32 s6, s0;
	s31 =	smax.u32 s31, $0x1;
	[dreg:$0x9] =	wrdreg s9  }
0x9: {  	s0 =	sadd.s32 $0x400, s0;
	[dreg:$0x1a] =	wrdreg s31  }
0xa: {  	s11 =	sadd.s32 $0x400, s9;
	[dreg:$0xa] =	wrdreg s0  }
0xb: {  	s13 =	sadd.s32 $0x800, s9;
	[dreg:$0xb] =	wrdreg s11  }
0xc: {  	s15 =	smul.u32 $0x320, s2;
	s14 =	sadd.s32 $0xC00, s9;
	[dreg:$0xc] =	wrdreg s13  }
0xd: {  	s1 =	smul.u32 $0x190, s1;
	s8 =	sadd.s32 $0x1000, s9;
	[dreg:$0xd] =	wrdreg s14  }
0xe: {  	s16 =	sadd.s32 $0x1400, s9;
	[dreg:$0xe] =	wrdreg s8  }
0xf: {  	s1 =	sadd.s32 s1, s15;
	s17 =	sadd.s32 $0x1800, s9;
	[dreg:$0xf] =	wrdreg s16  }
0x10: {  	s26 =	sshll.u32 s1, $0xA;
	s7 =	sadd.s32 $0x1C00, s9;
	[dreg:$0x10] =	wrdreg s17  }
0x11: {  	s12 =	smul.u32 $0x320000, s5;
	s23 =	sor.u32 $0x2800, s26;
	[dreg:$0x11] =	wrdreg s7  }
0x12: {  	p0 =	sne.s32 s2, $0x0;
	s25 =	sor.u32 $0x3800, s26;
	[dreg:$0x5] =	wrdreg s23  }
0x13: {  	s29 =	sor.u32 $0x3000, s26;
	s0 =	sshrl.u32 s12, $0x3;
	[dreg:$0x6] =	wrdreg s25  }
0x14: {  	s30 =	sor.u32 $0x2000, s26;
	[dreg:$0x7] =	wrdreg s29;
	s0 =	sadd.s32 s10, s0  }
0x15: {  	s15 =	simm.s32 $0xB;
	[dreg:$0x8] =	wrdreg s30;
	s18 =	sadd.s32 $0x62000, s0  }
0x16: {  	s25 =	simm.s32 $0x40;
	s19 =	sadd.s32 $0x62400, s0;
	[dreg:$0x12] =	wrdreg s18  }
0x17: {  	s8 =	simm.s32 $0x3;
	s20 =	sadd.s32 $0x62800, s0;
	[dreg:$0x13] =	wrdreg s19  }
0x18: {  	s11 =	simm.s32 $0x9;
	s21 =	sadd.s32 $0x62C00, s0;
	[dreg:$0x14] =	wrdreg s20  }
0x19: {  	s12 =	simm.s32 $0x5;
	s22 =	sadd.s32 $0x63000, s0;
	[dreg:$0x15] =	wrdreg s21  }
0x1a: {  	s13 =	simm.s32 $0xA;
	s24 =	sadd.s32 $0x63400, s0;
	[dreg:$0x16] =	wrdreg s22  }
0x1b: {  	s14 =	simm.s32 $0x6;
	s28 =	sadd.s32 $0x63800, s0;
	[dreg:$0x17] =	wrdreg s24  }
0x1c: {  	s16 =	simm.s32 $0x7;
	s0 =	sadd.s32 $0x63C00, s0;
	[dreg:$0x18] =	wrdreg s28  }
0x1d: {  	s23 =	simm.s32 $0x10;
	s10 =	simm.s32 $0x4;
	[dreg:$0x19] =	wrdreg s0  }
0x1e: {  	s18 =	simm.s32 $0xC;
	s19 =	simm.s32 $0x8;
	s20 =	simm.s32 $0xD  }
0x1f: {  	s21 =	simm.s32 $0xE;
	s22 =	simm.s32 $0xF;
	s0 =	simm.s32 $0x0  }
.LBB2_1:
0x20: {  	[dreg:$0x1b] =	wrdreg s0  }
0x21: {  	s2 =	rddreg [dreg:$0xa];
	s1 =	simm.s32 $0x11  }
0x22: {  	[tilespmem:s4], [sflag:$0x11] =	stream.linear.gather [hbm4b:s2+s4], $0xC800, $0x38;
	[tilespmem:$0x1D000] =	vst v63  }
0x23: {  	_ =	swait.ge [sflag:s1], $0xC800  }
0x24: {  	[sflag:s1] =	ssyncset.done $0x0  }
0x25: {  	[sflag:s1] =	ssyncadd.s32 $0xFFFF3800  }
0x26: {  	s5 =	simm.s32 @!p0 $0x1C11;
	s2 =	sshrl.u32 @!p0 s3, $0x3;
	s17 =	rddreg [dreg:$0x0]  }
0x27: {  	[spmem:s2], [sflag:s5] =	dma.local @!p0 [hbm:s17], $0x1000  }
0x28: {  	s2 =	simm.s32 @!p0 $0x11  }
0x29: {  	_ =	swait.ge @!p0 [sflag:s2], $0x1000  }
0x2a: {  	[sflag:s2] =	ssyncset.done @!p0 $0x0  }
0x2b: {  	[sflag:s2] =	ssyncadd.s32 @!p0 $0xFFFFF000  }
0x2c: {  	s24 =	simm.s32 $0xD000;
	[bflag:$0x0] =	sbarrier.arrive $0xFFFF  }
0x2d: {  	[tilespmem:s24], [sflag:$0x1] =	stream.indirect.gather [spmem:s3], $0x80, s4, s25, $0xb8;
	[tilespmem:$0x1D000] =	vst v63  }
0x2e: {  	s29 =	simm.s32 $0xF000;
	s5 =	simm.s32 $0x80  }
0x2f: {  	[tilespmem:s29], [sflag:$0x2] =	stream.indirect.gather [spmem:s3], $0x80, s5, s25, $0xb8;
	[tilespmem:$0x1D000] =	vst v63  }
0x30: {  	s6 =	simm.s32 $0x100;
	s30 =	simm.s32 $0x11000  }
0x31: {  	[tilespmem:s30], [sflag:$0x3] =	stream.indirect.gather [spmem:s3], $0x80, s6, s25, $0xb8;
	[tilespmem:$0x1D000] =	vst v63  }
0x32: {  	s7 =	simm.s32 $0x180;
	s28 =	simm.s32 $0x13000  }
0x33: {  	[tilespmem:s28], [sflag:$0x4] =	stream.indirect.gather [spmem:s3], $0x80, s7, s25, $0xb8;
	[tilespmem:$0x1D000] =	vst v63  }
0x34: {  	s9 =	simm.s32 $0x200;
	s1 =	simm.s32 $0x1;
	s7 =	simm.s32 $0x15000  }
0x35: {  	[tilespmem:s7], [sflag:$0x5] =	stream.indirect.gather [spmem:s3], $0x80, s9, s25, $0xb8;
	[tilespmem:$0x1D000] =	vst v63  }
0x36: {  	_ =	swait.ge [sflag:s1], $0x2000  }
0x37: {  	[sflag:s1] =	ssyncset.done $0x0  }
0x38: {  	s17 =	rddreg [dreg:$0x9];
	[sflag:s1] =	ssyncadd.s32 $0xFFFFE000  }
0x39: {  	[hbm4b:s17+s4] =	stream.linear.scatter [tilespmem:s24], [sflag:$0x9], $0x2000, $0x38;
	[tilespmem:$0x1D000] =	vst v63  }
0x3a: {  	s31 =	simm.s32 $0x280;
	s5 =	simm.s32 $0x2;
	s9 =	simm.s32 $0x17000  }
0x3b: {  	[tilespmem:s9], [sflag:$0x6] =	stream.indirect.gather [spmem:s3], $0x80, s31, s25, $0xb8;
	[tilespmem:$0x1D000] =	vst v63  }
0x3c: {  	_ =	swait.ge [sflag:s5], $0x2000  }
0x3d: {  	[sflag:s5] =	ssyncset.done $0x0  }
0x3e: {  	s0 =	rddreg [dreg:$0xb];
	[sflag:s5] =	ssyncadd.s32 $0xFFFFE000  }
0x3f: {  	[hbm4b:s0+s4] =	stream.linear.scatter [tilespmem:s29], [sflag:$0xA], $0x2000, $0x38;
	[tilespmem:$0x1D000] =	vst v63  }
0x40: {  	s2 =	simm.s32 $0x300;
	s31 =	simm.s32 $0x19000  }
0x41: {  	[tilespmem:s31], [sflag:$0x7] =	stream.indirect.gather [spmem:s3], $0x80, s2, s25, $0xb8;
	[tilespmem:$0x1D000] =	vst v63  }
0x42: {  	_ =	swait.ge [sflag:s8], $0x2000  }
0x43: {  	[sflag:s8] =	ssyncset.done $0x0  }
0x44: {  	s6 =	rddreg [dreg:$0xc];
	[sflag:s8] =	ssyncadd.s32 $0xFFFFE000  }
0x45: {  	[hbm4b:s6+s4] =	stream.linear.scatter [tilespmem:s30], [sflag:$0xB], $0x2000, $0x38;
	[tilespmem:$0x1D000] =	vst v63  }
0x46: {  	s17 =	simm.s32 $0x380;
	s6 =	simm.s32 $0x1B000  }
0x47: {  	[tilespmem:s6], [sflag:$0x8] =	stream.indirect.gather [spmem:s3], $0x80, s17, s25, $0xb8;
	[tilespmem:$0x1D000] =	vst v63  }
0x48: {  	_ =	swait.ge [sflag:s10], $0x2000  }
0x49: {  	[sflag:s10] =	ssyncset.done $0x0  }
0x4a: {  	s0 =	rddreg [dreg:$0xd];
	[sflag:s10] =	ssyncadd.s32 $0xFFFFE000  }
0x4b: {  	[hbm4b:s0+s4] =	stream.linear.scatter [tilespmem:s28], [sflag:$0xC], $0x2000, $0x38;
	[tilespmem:$0x1D000] =	vst v63  }
0x4c: {  	_ =	swait.ge [sflag:s11], $0x2000  }
0x4d: {  	[sflag:s11] =	ssyncset.done $0x0  }
0x4e: {  	s17 =	simm.s32 $0x400;
	[sflag:s11] =	ssyncadd.s32 $0xFFFFE000  }
0x4f: {  	[tilespmem:s24], [sflag:$0x1] =	stream.indirect.gather [spmem:s3], $0x80, s17, s25, $0xb8;
	[tilespmem:$0x1D000] =	vst v63  }
0x50: {  	_ =	swait.ge [sflag:s12], $0x2000  }
0x51: {  	[sflag:s12] =	ssyncset.done $0x0  }
0x52: {  	s0 =	rddreg [dreg:$0xe];
	[sflag:s12] =	ssyncadd.s32 $0xFFFFE000  }
0x53: {  	[hbm4b:s0+s4] =	stream.linear.scatter [tilespmem:s7], [sflag:$0xD], $0x2000, $0x38;
	[tilespmem:$0x1D000] =	vst v63  }
0x54: {  	_ =	swait.ge [sflag:s13], $0x2000  }
0x55: {  	[sflag:s13] =	ssyncset.done $0x0  }
0x56: {  	s17 =	simm.s32 $0x480;
	[sflag:s13] =	ssyncadd.s32 $0xFFFFE000  }
0x57: {  	[tilespmem:s29], [sflag:$0x2] =	stream.indirect.gather [spmem:s3], $0x80, s17, s25, $0xb8;
	[tilespmem:$0x1D000] =	vst v63  }
0x58: {  	_ =	swait.ge [sflag:s14], $0x2000  }
0x59: {  	[sflag:s14] =	ssyncset.done $0x0  }
0x5a: {  	s0 =	rddreg [dreg:$0xf];
	[sflag:s14] =	ssyncadd.s32 $0xFFFFE000  }
0x5b: {  	[hbm4b:s0+s4] =	stream.linear.scatter [tilespmem:s9], [sflag:$0xE], $0x2000, $0x38;
	[tilespmem:$0x1D000] =	vst v63  }
0x5c: {  	_ =	swait.ge [sflag:s15], $0x2000  }
0x5d: {  	[sflag:s15] =	ssyncset.done $0x0  }
0x5e: {  	s17 =	simm.s32 $0x500;
	[sflag:s15] =	ssyncadd.s32 $0xFFFFE000  }
0x5f: {  	[tilespmem:s30], [sflag:$0x3] =	stream.indirect.gather [spmem:s3], $0x80, s17, s25, $0xb8;
	[tilespmem:$0x1D000] =	vst v63  }
0x60: {  	_ =	swait.ge [sflag:s16], $0x2000  }
0x61: {  	[sflag:s16] =	ssyncset.done $0x0  }
0x62: {  	s0 =	rddreg [dreg:$0x10];
	[sflag:s16] =	ssyncadd.s32 $0xFFFFE000  }
0x63: {  	[hbm4b:s0+s4] =	stream.linear.scatter [tilespmem:s31], [sflag:$0xF], $0x2000, $0x38;
	[tilespmem:$0x1D000] =	vst v63  }
0x64: {  	_ =	swait.ge [sflag:s18], $0x2000  }
0x65: {  	[sflag:s18] =	ssyncset.done $0x0  }
0x66: {  	s17 =	simm.s32 $0x580;
	[sflag:s18] =	ssyncadd.s32 $0xFFFFE000  }
0x67: {  	[tilespmem:s28], [sflag:$0x4] =	stream.indirect.gather [spmem:s3], $0x80, s17, s25, $0xb8;
	[tilespmem:$0x1D000] =	vst v63  }
0x68: {  	_ =	swait.ge [sflag:s19], $0x2000  }
0x69: {  	[sflag:s19] =	ssyncset.done $0x0  }
0x6a: {  	s0 =	rddreg [dreg:$0x11];
	[sflag:s19] =	ssyncadd.s32 $0xFFFFE000  }
0x6b: {  	[hbm4b:s0+s4] =	stream.linear.scatter [tilespmem:s6], [sflag:$0x10], $0x2000, $0x38;
	[tilespmem:$0x1D000] =	vst v63  }
0x6c: {  	_ =	swait.ge [sflag:s20], $0x2000  }
0x6d: {  	[sflag:s20] =	ssyncset.done $0x0  }
0x6e: {  	s17 =	simm.s32 $0x600;
	[sflag:s20] =	ssyncadd.s32 $0xFFFFE000  }
0x6f: {  	[tilespmem:s7], [sflag:$0x5] =	stream.indirect.gather [spmem:s3], $0x80, s17, s25, $0xb8;
	[tilespmem:$0x1D000] =	vst v63  }
0x70: {  	_ =	swait.ge [sflag:s1], $0x2000  }
0x71: {  	[sflag:s1] =	ssyncset.done $0x0  }
0x72: {  	s0 =	rddreg [dreg:$0x8];
	[sflag:s1] =	ssyncadd.s32 $0xFFFFE000  }
0x73: {  	s17 =	rddreg [dreg:$0x2]  }
0x74: {  	s2 =	sadd.s32 s17, s0  }
0x75: {  	[hbm4b:s2+s4] =	stream.linear.scatter [tilespmem:s24], [sflag:$0x9], $0x2000, $0x38;
	[tilespmem:$0x1D000] =	vst v63  }
0x76: {  	_ =	swait.ge [sflag:s21], $0x2000  }
0x77: {  	[sflag:s21] =	ssyncset.done $0x0  }
0x78: {  	s1 =	simm.s32 $0x680;
	[sflag:s21] =	ssyncadd.s32 $0xFFFFE000  }
0x79: {  	[tilespmem:s9], [sflag:$0x6] =	stream.indirect.gather [spmem:s3], $0x80, s1, s25, $0xb8;
	[tilespmem:$0x1D000] =	vst v63  }
0x7a: {  	_ =	swait.ge [sflag:s5], $0x2000  }
0x7b: {  	s2 =	sadd.s32 s17, s26;
	[sflag:s5] =	ssyncset.done $0x0  }
0x7c: {  	s0 =	sadd.s32 $0x2400, s2;
	[sflag:s5] =	ssyncadd.s32 $0xFFFFE000  }
0x7d: {  	[hbm4b:s0+s4] =	stream.linear.scatter [tilespmem:s29], [sflag:$0xA], $0x2000, $0x38;
	[tilespmem:$0x1D000] =	vst v63  }
0x7e: {  	_ =	swait.ge [sflag:s22], $0x2000  }
0x7f: {  	[sflag:s22] =	ssyncset.done $0x0  }
0x80: {  	s1 =	simm.s32 $0x700;
	[sflag:s22] =	ssyncadd.s32 $0xFFFFE000  }
0x81: {  	[tilespmem:s31], [sflag:$0x7] =	stream.indirect.gather [spmem:s3], $0x80, s1, s25, $0xb8;
	[tilespmem:$0x1D000] =	vst v63  }
0x82: {  	_ =	swait.ge [sflag:s8], $0x2000  }
0x83: {  	s0 =	rddreg [dreg:$0x5];
	[sflag:s8] =	ssyncset.done $0x0  }
0x84: {  	[sflag:s8] =	ssyncadd.s32 $0xFFFFE000;
	s5 =	sadd.s32 s17, s0  }
0x85: {  	[hbm4b:s5+s4] =	stream.linear.scatter [tilespmem:s30], [sflag:$0xB], $0x2000, $0x38;
	[tilespmem:$0x1D000] =	vst v63  }
0x86: {  	_ =	swait.ge [sflag:s23], $0x2000  }
0x87: {  	[sflag:s23] =	ssyncset.done $0x0  }
0x88: {  	s1 =	simm.s32 $0x780;
	[sflag:s23] =	ssyncadd.s32 $0xFFFFE000  }
0x89: {  	[tilespmem:s6], [sflag:$0x8] =	stream.indirect.gather [spmem:s3], $0x80, s1, s25, $0xb8;
	[tilespmem:$0x1D000] =	vst v63  }
0x8a: {  	_ =	swait.ge [sflag:s10], $0x2000  }
0x8b: {  	[sflag:s10] =	ssyncset.done $0x0  }
0x8c: {  	s0 =	sadd.s32 $0x2C00, s2;
	[sflag:s10] =	ssyncadd.s32 $0xFFFFE000  }
0x8d: {  	[hbm4b:s0+s4] =	stream.linear.scatter [tilespmem:s28], [sflag:$0xC], $0x2000, $0x38;
	[tilespmem:$0x1D000] =	vst v63  }
0x8e: {  	_ =	swait.ge [sflag:s11], $0x2000  }
0x8f: {  	[sflag:s11] =	ssyncset.done $0x0  }
0x90: {  	s1 =	simm.s32 $0x800;
	[sflag:s11] =	ssyncadd.s32 $0xFFFFE000  }
0x91: {  	[tilespmem:s24], [sflag:$0x1] =	stream.indirect.gather [spmem:s3], $0x80, s1, s25, $0xb8;
	[tilespmem:$0x1D000] =	vst v63  }
0x92: {  	_ =	swait.ge [sflag:s12], $0x2000  }
0x93: {  	s6 =	rddreg [dreg:$0x7];
	[sflag:s12] =	ssyncset.done $0x0  }
0x94: {  	[sflag:s12] =	ssyncadd.s32 $0xFFFFE000;
	s5 =	sadd.s32 s17, s6  }
0x95: {  	[hbm4b:s5+s4] =	stream.linear.scatter [tilespmem:s7], [sflag:$0xD], $0x2000, $0x38;
	[tilespmem:$0x1D000] =	vst v63  }
0x96: {  	_ =	swait.ge [sflag:s13], $0x2000  }
0x97: {  	[sflag:s13] =	ssyncset.done $0x0  }
0x98: {  	s7 =	simm.s32 $0x880;
	[sflag:s13] =	ssyncadd.s32 $0xFFFFE000  }
0x99: {  	[tilespmem:s29], [sflag:$0x2] =	stream.indirect.gather [spmem:s3], $0x80, s7, s25, $0xb8;
	[tilespmem:$0x1D000] =	vst v63  }
0x9a: {  	_ =	swait.ge [sflag:s14], $0x2000  }
0x9b: {  	[sflag:s14] =	ssyncset.done $0x0  }
0x9c: {  	s24 =	sadd.s32 $0x3400, s2;
	[sflag:s14] =	ssyncadd.s32 $0xFFFFE000  }
0x9d: {  	[hbm4b:s24+s4] =	stream.linear.scatter [tilespmem:s9], [sflag:$0xE], $0x2000, $0x38;
	[tilespmem:$0x1D000] =	vst v63  }
0x9e: {  	_ =	swait.ge [sflag:s15], $0x2000  }
0x9f: {  	[sflag:s15] =	ssyncset.done $0x0  }
0xa0: {  	s29 =	simm.s32 $0x900;
	[sflag:s15] =	ssyncadd.s32 $0xFFFFE000  }
0xa1: {  	[tilespmem:s30], [sflag:$0x3] =	stream.indirect.gather [spmem:s3], $0x80, s29, s25, $0xb8;
	[tilespmem:$0x1D000] =	vst v63  }
0xa2: {  	_ =	swait.ge [sflag:s16], $0x2000  }
0xa3: {  	s30 =	rddreg [dreg:$0x6];
	[sflag:s16] =	ssyncset.done $0x0  }
0xa4: {  	[sflag:s16] =	ssyncadd.s32 $0xFFFFE000;
	s5 =	sadd.s32 s17, s30  }
0xa5: {  	[hbm4b:s5+s4] =	stream.linear.scatter [tilespmem:s31], [sflag:$0xF], $0x2000, $0x38;
	[tilespmem:$0x1D000] =	vst v63  }
0xa6: {  	_ =	swait.ge [sflag:s18], $0x2000  }
0xa7: {  	[sflag:s18] =	ssyncset.done $0x0  }
0xa8: {  	s31 =	simm.s32 $0x980;
	[sflag:s18] =	ssyncadd.s32 $0xFFFFE000  }
0xa9: {  	[tilespmem:s28], [sflag:$0x4] =	stream.indirect.gather [spmem:s3], $0x80, s31, s25, $0xb8;
	[tilespmem:$0x1D000] =	vst v63  }
0xaa: {  	_ =	swait.ge [sflag:s19], $0x2000  }
0xab: {  	s24 =	simm.s32 $0x1000;
	[sflag:s19] =	ssyncset.done $0x0  }
0xac: {  	s5 =	sadd.s32 $0x3C00, s2;
	s2 =	sadd.s32 $0x2000, s17;
	[sflag:s19] =	ssyncadd.s32 $0xFFFFE000  }
.LBB2_2:
0xad: {  	s7 =	simm.s32 $0x1B000  }
0xae: {  	[hbm4b:s5+s4] =	stream.linear.scatter [tilespmem:s7], [sflag:$0x10], $0x2000, $0x38;
	[tilespmem:$0x1D000] =	vst v63  }
0xaf: {  	s1 =	smov.u32 s24;
	_ =	swait.ge [sflag:s20], $0x2000  }
0xb0: {  	s9 =	simm.s32 $0x15000;
	s5 =	sshra.s32 s1, $0x2;
	[sflag:s20] =	ssyncset.done $0x0  }
0xb1: {  	s0 =	simm.s32 $0x1;
	s17 =	sadd.s32 $0x600, s5;
	[sflag:s20] =	ssyncadd.s32 $0xFFFFE000  }
0xb2: {  	[tilespmem:s9], [sflag:$0x5] =	stream.indirect.gather [spmem:s3], $0x80, s17, s25, $0xb8;
	[tilespmem:$0x1D000] =	vst v63  }
0xb3: {  	_ =	swait.ge [sflag:s0], $0x2000  }
0xb4: {  	s6 =	rddreg [dreg:$0x8];
	[sflag:s0] =	ssyncset.done $0x0  }
0xb5: {  	[sflag:s0] =	ssyncadd.s32 $0xFFFFE000;
	s17 =	sadd.s32 s2, s6;
	s0 =	simm.s32 $0xD000  }
0xb6: {  	[hbm4b:s17+s4] =	stream.linear.scatter [tilespmem:s0], [sflag:$0x9], $0x2000, $0x38;
	[tilespmem:$0x1D000] =	vst v63  }
0xb7: {  	_ =	swait.ge [sflag:s21], $0x2000  }
0xb8: {  	s1 =	simm.s32 $0x17000;
	[sflag:s21] =	ssyncset.done $0x0  }
0xb9: {  	s29 =	sadd.s32 $0x680, s5;
	s6 =	simm.s32 $0x2;
	[sflag:s21] =	ssyncadd.s32 $0xFFFFE000  }
0xba: {  	[tilespmem:s1], [sflag:$0x6] =	stream.indirect.gather [spmem:s3], $0x80, s29, s25, $0xb8;
	[tilespmem:$0x1D000] =	vst v63  }
0xbb: {  	_ =	swait.ge [sflag:s6], $0x2000  }
0xbc: {  	s17 =	sadd.s32 s2, s26;
	[sflag:s6] =	ssyncset.done $0x0  }
0xbd: {  	s30 =	simm.s32 $0xF000;
	[sflag:s6] =	ssyncadd.s32 $0xFFFFE000;
	s6 =	sadd.s32 $0x2400, s17  }
0xbe: {  	[hbm4b:s6+s4] =	stream.linear.scatter [tilespmem:s30], [sflag:$0xA], $0x2000, $0x38;
	[tilespmem:$0x1D000] =	vst v63  }
0xbf: {  	_ =	swait.ge [sflag:s22], $0x2000  }
0xc0: {  	s29 =	smov.u32 s26;
	[sflag:s22] =	ssyncset.done $0x0  }
0xc1: {  	s26 =	sadd.s32 $0x700, s5;
	s6 =	simm.s32 $0x19000;
	[sflag:s22] =	ssyncadd.s32 $0xFFFFE000  }
0xc2: {  	[tilespmem:s6], [sflag:$0x7] =	stream.indirect.gather [spmem:s3], $0x80, s26, s25, $0xb8;
	[tilespmem:$0x1D000] =	vst v63  }
0xc3: {  	_ =	swait.ge [sflag:s8], $0x2000  }
0xc4: {  	s26 =	rddreg [dreg:$0x5];
	[sflag:s8] =	ssyncset.done $0x0  }
0xc5: {  	s28 =	simm.s32 $0x11000;
	[sflag:s8] =	ssyncadd.s32 $0xFFFFE000;
	s26 =	sadd.s32 s2, s26  }
0xc6: {  	[hbm4b:s26+s4] =	stream.linear.scatter [tilespmem:s28], [sflag:$0xB], $0x2000, $0x38;
	[tilespmem:$0x1D000] =	vst v63  }
0xc7: {  	_ =	swait.ge [sflag:s23], $0x2000  }
0xc8: {  	[sflag:s23] =	ssyncset.done $0x0  }
0xc9: {  	s26 =	sadd.s32 $0x780, s5;
	[sflag:s23] =	ssyncadd.s32 $0xFFFFE000  }
0xca: {  	[tilespmem:s7], [sflag:$0x8] =	stream.indirect.gather [spmem:s3], $0x80, s26, s25, $0xb8;
	[tilespmem:$0x1D000] =	vst v63  }
0xcb: {  	_ =	swait.ge [sflag:s10], $0x2000  }
0xcc: {  	[sflag:s10] =	ssyncset.done $0x0  }
0xcd: {  	s26 =	sadd.s32 $0x2C00, s17;
	s7 =	simm.s32 $0x13000;
	[sflag:s10] =	ssyncadd.s32 $0xFFFFE000  }
0xce: {  	[hbm4b:s26+s4] =	stream.linear.scatter [tilespmem:s7], [sflag:$0xC], $0x2000, $0x38;
	[tilespmem:$0x1D000] =	vst v63  }
0xcf: {  	_ =	swait.ge [sflag:s11], $0x2000  }
0xd0: {  	[sflag:s11] =	ssyncset.done $0x0  }
0xd1: {  	s26 =	sadd.s32 $0x800, s5;
	[sflag:s11] =	ssyncadd.s32 $0xFFFFE000  }
0xd2: {  	[tilespmem:s0], [sflag:$0x1] =	stream.indirect.gather [spmem:s3], $0x80, s26, s25, $0xb8;
	[tilespmem:$0x1D000] =	vst v63  }
0xd3: {  	_ =	swait.ge [sflag:s12], $0x2000  }
0xd4: {  	s0 =	rddreg [dreg:$0x7];
	[sflag:s12] =	ssyncset.done $0x0  }
0xd5: {  	[sflag:s12] =	ssyncadd.s32 $0xFFFFE000;
	s26 =	sadd.s32 s2, s0  }
0xd6: {  	[hbm4b:s26+s4] =	stream.linear.scatter [tilespmem:s9], [sflag:$0xD], $0x2000, $0x38;
	[tilespmem:$0x1D000] =	vst v63  }
0xd7: {  	_ =	swait.ge [sflag:s13], $0x2000  }
0xd8: {  	[sflag:s13] =	ssyncset.done $0x0  }
0xd9: {  	s9 =	sadd.s32 $0x880, s5;
	[sflag:s13] =	ssyncadd.s32 $0xFFFFE000  }
0xda: {  	[tilespmem:s30], [sflag:$0x2] =	stream.indirect.gather [spmem:s3], $0x80, s9, s25, $0xb8;
	[tilespmem:$0x1D000] =	vst v63  }
0xdb: {  	_ =	swait.ge [sflag:s14], $0x2000  }
0xdc: {  	[sflag:s14] =	ssyncset.done $0x0  }
0xdd: {  	s9 =	sadd.s32 $0x3400, s17;
	[sflag:s14] =	ssyncadd.s32 $0xFFFFE000  }
0xde: {  	[hbm4b:s9+s4] =	stream.linear.scatter [tilespmem:s1], [sflag:$0xE], $0x2000, $0x38;
	[tilespmem:$0x1D000] =	vst v63  }
0xdf: {  	_ =	swait.ge [sflag:s15], $0x2000  }
0xe0: {  	[sflag:s15] =	ssyncset.done $0x0  }
0xe1: {  	s1 =	sadd.s32 $0x900, s5;
	[sflag:s15] =	ssyncadd.s32 $0xFFFFE000  }
0xe2: {  	[tilespmem:s28], [sflag:$0x3] =	stream.indirect.gather [spmem:s3], $0x80, s1, s25, $0xb8;
	[tilespmem:$0x1D000] =	vst v63  }
0xe3: {  	_ =	swait.ge [sflag:s16], $0x2000  }
0xe4: {  	s9 =	rddreg [dreg:$0x6];
	[sflag:s16] =	ssyncset.done $0x0  }
0xe5: {  	[sflag:s16] =	ssyncadd.s32 $0xFFFFE000;
	s26 =	sadd.s32 s2, s9  }
0xe6: {  	[hbm4b:s26+s4] =	stream.linear.scatter [tilespmem:s6], [sflag:$0xF], $0x2000, $0x38;
	[tilespmem:$0x1D000] =	vst v63  }
0xe7: {  	p1 =	sne.s32 s24, $0x2F000;
	_ =	swait.ge [sflag:s18], $0x2000  }
0xe8: {  	s24 =	sadd.s32 $0x1000, s24;
	s31 =	simm.s32 $0xD000;
	[sflag:s18] =	ssyncset.done $0x0  }
.Ltmp0:
0xe9: {  	s5 =	sadd.s32 $0x980, s5;
	[sflag:s18] =	ssyncadd.s32 $0xFFFFE000;
	(pc) =	sbr.rel @p1 .LBB2_2-.Ltmp0, $4  }
0xea: {  	[tilespmem:s7], [sflag:$0x4] =	stream.indirect.gather [spmem:s3], $0x80, s5, s25, $0xb8;
	[tilespmem:$0x1D000] =	vst v63  }
0xeb: {  	s0 =	simm.s32 $0xF000;
	s30 =	simm.s32 $0x11000;
	_ =	swait.ge [sflag:s19], $0x2000  }
0xec: {  	s28 =	simm.s32 $0x13000;
	s2 =	sadd.s32 $0x2000, s2;
	[sflag:s19] =	ssyncset.done $0x0  }
0xed: {  	s26 =	smov.u32 s29;
	s5 =	sadd.s32 $0x3C00, s17;
	[sflag:s19] =	ssyncadd.s32 $0xFFFFE000  }
0xee: {  	s6 =	simm.s32 $0x1B000  }
0xef: {  	[hbm4b:s5+s4] =	stream.linear.scatter [tilespmem:s6], [sflag:$0x10], $0x2000, $0x38;
	[tilespmem:$0x1D000] =	vst v63  }
0xf0: {  	_ =	swait.ge [sflag:s20], $0x2000  }
0xf1: {  	s1 =	simm.s32 $0xC600;
	[sflag:s20] =	ssyncset.done $0x0  }
0xf2: {  	s7 =	simm.s32 $0x1;
	s5 =	simm.s32 $0x15000;
	[sflag:s20] =	ssyncadd.s32 $0xFFFFE000  }
0xf3: {  	[tilespmem:s5], [sflag:$0x5] =	stream.indirect.gather [spmem:s3], $0x80, s1, s25, $0xb8;
	[tilespmem:$0x1D000] =	vst v63  }
0xf4: {  	_ =	swait.ge [sflag:s7], $0x2000  }
0xf5: {  	[sflag:s7] =	ssyncset.done $0x0  }
0xf6: {  	s2 =	rddreg [dreg:$0x12];
	[sflag:s7] =	ssyncadd.s32 $0xFFFFE000  }
0xf7: {  	[hbm4b:s2+s4] =	stream.linear.scatter [tilespmem:s31], [sflag:$0x9], $0x2000, $0x38;
	[tilespmem:$0x1D000] =	vst v63  }
0xf8: {  	_ =	swait.ge [sflag:s21], $0x2000  }
0xf9: {  	s9 =	simm.s32 $0xC680;
	[sflag:s21] =	ssyncset.done $0x0  }
0xfa: {  	s17 =	simm.s32 $0x2;
	s1 =	simm.s32 $0x17000;
	[sflag:s21] =	ssyncadd.s32 $0xFFFFE000  }
0xfb: {  	[tilespmem:s1], [sflag:$0x6] =	stream.indirect.gather [spmem:s3], $0x80, s9, s25, $0xb8;
	[tilespmem:$0x1D000] =	vst v63  }
0xfc: {  	_ =	swait.ge [sflag:s17], $0x2000  }
0xfd: {  	[sflag:s17] =	ssyncset.done $0x0  }
0xfe: {  	s24 =	rddreg [dreg:$0x13];
	[sflag:s17] =	ssyncadd.s32 $0xFFFFE000  }
0xff: {  	[hbm4b:s24+s4] =	stream.linear.scatter [tilespmem:s0], [sflag:$0xA], $0x2000, $0x38;
	[tilespmem:$0x1D000] =	vst v63  }
0x100: {  	_ =	swait.ge [sflag:s22], $0x2000  }
0x101: {  	[sflag:s22] =	ssyncset.done $0x0  }
0x102: {  	s29 =	simm.s32 $0xC700;
	s0 =	simm.s32 $0x19000;
	[sflag:s22] =	ssyncadd.s32 $0xFFFFE000  }
0x103: {  	[tilespmem:s0], [sflag:$0x7] =	stream.indirect.gather [spmem:s3], $0x80, s29, s25, $0xb8;
	[tilespmem:$0x1D000] =	vst v63  }
0x104: {  	_ =	swait.ge [sflag:s8], $0x2000  }
0x105: {  	[sflag:s8] =	ssyncset.done $0x0  }
0x106: {  	s31 =	rddreg [dreg:$0x14];
	[sflag:s8] =	ssyncadd.s32 $0xFFFFE000  }
0x107: {  	[hbm4b:s31+s4] =	stream.linear.scatter [tilespmem:s30], [sflag:$0xB], $0x2000, $0x38;
	[tilespmem:$0x1D000] =	vst v63  }
0x108: {  	_ =	swait.ge [sflag:s23], $0x2000  }
0x109: {  	[sflag:s23] =	ssyncset.done $0x0  }
0x10a: {  	s7 =	simm.s32 $0xC780;
	[sflag:s23] =	ssyncadd.s32 $0xFFFFE000  }
0x10b: {  	[tilespmem:s6], [sflag:$0x8] =	stream.indirect.gather [spmem:s3], $0x80, s7, s25, $0xb8;
	[tilespmem:$0x1D000] =	vst v63  }
0x10c: {  	_ =	swait.ge [sflag:s10], $0x2000  }
0x10d: {  	[sflag:s10] =	ssyncset.done $0x0  }
0x10e: {  	s9 =	rddreg [dreg:$0x15];
	[sflag:s10] =	ssyncadd.s32 $0xFFFFE000  }
0x10f: {  	[hbm4b:s9+s4] =	stream.linear.scatter [tilespmem:s28], [sflag:$0xC], $0x2000, $0x38;
	[tilespmem:$0x1D000] =	vst v63  }
0x110: {  	_ =	swait.ge [sflag:s12], $0x2000  }
0x111: {  	[sflag:s12] =	ssyncset.done $0x0  }
0x112: {  	s17 =	rddreg [dreg:$0x16];
	[sflag:s12] =	ssyncadd.s32 $0xFFFFE000  }
0x113: {  	[hbm4b:s17+s4] =	stream.linear.scatter [tilespmem:s5], [sflag:$0xD], $0x2000, $0x38;
	[tilespmem:$0x1D000] =	vst v63  }
0x114: {  	_ =	swait.ge [sflag:s14], $0x2000  }
0x115: {  	[sflag:s14] =	ssyncset.done $0x0  }
0x116: {  	s24 =	rddreg [dreg:$0x17];
	[sflag:s14] =	ssyncadd.s32 $0xFFFFE000  }
0x117: {  	[hbm4b:s24+s4] =	stream.linear.scatter [tilespmem:s1], [sflag:$0xE], $0x2000, $0x38;
	[tilespmem:$0x1D000] =	vst v63  }
0x118: {  	_ =	swait.ge [sflag:s16], $0x2000  }
0x119: {  	[sflag:s16] =	ssyncset.done $0x0  }
0x11a: {  	s28 =	rddreg [dreg:$0x18];
	[sflag:s16] =	ssyncadd.s32 $0xFFFFE000  }
0x11b: {  	[hbm4b:s28+s4] =	stream.linear.scatter [tilespmem:s0], [sflag:$0xF], $0x2000, $0x38;
	[tilespmem:$0x1D000] =	vst v63  }
0x11c: {  	_ =	swait.ge [sflag:s19], $0x2000  }
0x11d: {  	[sflag:s19] =	ssyncset.done $0x0  }
0x11e: {  	s29 =	rddreg [dreg:$0x19];
	[sflag:s19] =	ssyncadd.s32 $0xFFFFE000  }
0x11f: {  	[hbm4b:s29+s4] =	stream.linear.scatter [tilespmem:s6], [sflag:$0x10], $0x2000, $0x38;
	[tilespmem:$0x1D000] =	vst v63  }
0x120: {  	_ =	swait.ge [sflag:s11], $0x2000  }
0x121: {  	[sflag:s11] =	ssyncset.done $0x0  }
0x122: {  	[sflag:s11] =	ssyncadd.s32 $0xFFFFE000  }
0x123: {  	_ =	swait.ge [sflag:s13], $0x2000  }
0x124: {  	[sflag:s13] =	ssyncset.done $0x0  }
0x125: {  	[sflag:s13] =	ssyncadd.s32 $0xFFFFE000  }
0x126: {  	_ =	swait.ge [sflag:s15], $0x2000  }
0x127: {  	[sflag:s15] =	ssyncset.done $0x0  }
0x128: {  	[sflag:s15] =	ssyncadd.s32 $0xFFFFE000  }
0x129: {  	_ =	swait.ge [sflag:s18], $0x2000  }
0x12a: {  	[sflag:s18] =	ssyncset.done $0x0  }
0x12b: {  	[sflag:s18] =	ssyncadd.s32 $0xFFFFE000  }
0x12c: {  	_ =	swait.ge [sflag:s20], $0x2000  }
0x12d: {  	[sflag:s20] =	ssyncset.done $0x0  }
0x12e: {  	[sflag:s20] =	ssyncadd.s32 $0xFFFFE000  }
0x12f: {  	_ =	swait.ge [sflag:s21], $0x2000  }
0x130: {  	[sflag:s21] =	ssyncset.done $0x0  }
0x131: {  	[sflag:s21] =	ssyncadd.s32 $0xFFFFE000  }
0x132: {  	_ =	swait.ge [sflag:s22], $0x2000  }
0x133: {  	[sflag:s22] =	ssyncset.done $0x0  }
0x134: {  	[sflag:s22] =	ssyncadd.s32 $0xFFFFE000  }
0x135: {  	_ =	swait.ge [sflag:s23], $0x2000  }
0x136: {  	s30 =	rddreg [dreg:$0x1b]  }
0x137: {  	s31 =	rddreg [dreg:$0x1a];
	s0 =	sadd.s32 $0x1, s30  }
0x138: {  	p1 =	sne.s32 s0, s31  }
.Ltmp1:
0x139: {  	_ = 	snop;
	(pc) =	sbr.rel @p1 .LBB2_1-.Ltmp1, $3  }
0x13a: {  	_ =	sdelay $0x1  }
0x13b: {  	[sflag:s23] =	ssyncset.done $0x0  }
0x13c: {  	[sflag:s23] =	ssyncadd.s32 $0xFFFFE000  }
0x13d: {  	_ =	sfence.sel $0x180000  }
0x13e: {  	[bflag:$0x0] =	sbarrier.arrive $0xFFFF  }
0x13f: {  	_ =	strace $0x90000047  }
0x140: {  	[bflag:$0x2] =	sbarrier.arrive $0xFFFF  }
0x141: {  	s0 =	rddreg [dreg:$0x4]  }
0x142: {  	s0 =	sadd.s32 @!p0 $0x100000, s0  }
0x143: {  	[sflag:s0] =	ssyncadd.tile.s32 @!p0 $0x1;
	_ =	shalt  }
.Lfunc_end2:
_tile_overlayer_lowered:
.L_overlay_start_2:
0x144: {  	(tag) =	ssettag $0x2  }
0x145: {  	s0 =	rddreg [dreg:$0x0];
	s2 =	stileid.u32  }
0x146: {  	s1 =	rddreg [dreg:$0x1];
	p0 =	sne.s32 s2, $0x0  }
0x147: {  	s3 =	rddreg [dreg:$0x2];
	[bflag:$0x3] =	sbarrier.arrive $0xFFFF;
	s2 =	simm.s32 @!p0 $0x1C11  }
0x148: {  	[timem:s3], [sflag:s2] =	dma.local @!p0 [hbm:s0], s1  }
0x149: {  	s0 =	simm.s32 @!p0 $0x11  }
0x14a: {  	_ =	swait.ge @!p0 [sflag:s0], s1  }
0x14b: {  	s1 =	ssub.s32 @!p0 $0x0, s1;
	[sflag:s0] =	ssyncset.done @!p0 $0x0  }
0x14c: {  	[sflag:s0] =	ssyncadd.s32 @!p0 s1  }
0x14d: {  	[bflag:$0x3] =	sbarrier.arrive $0xFFFF  }
0x14e: {  	_ =	shalt  }

</sc_bundles>
